<compile_context>
chip_gen: v7x
topology: tpu7x:2x2x1
jax: 0.10.2.dev20260603
libtpu: 0.0.44.dev20260713+nightly
codegen_flags: <defaults>
</compile_context>

<pallas_src>
import functools

import jax
import jax.numpy as jnp
from jax import lax
from jax.experimental import pallas as pl
from jax.experimental.pallas import tpu as pltpu
from jax.experimental.pallas import tpu_sc as plsc

NC = 2
NS = 16
NW = NC * NS
LANES = 16
CHUNK = 128
ZROWS = 16


def _fill_rows(ref, nrows, width, value):
    vec = jnp.full((LANES,), value, jnp.float32)

    def body(i, _):
        r = i // (width // LANES)
        c = i % (width // LANES)
        ref[r, pl.ds(c * LANES, LANES)] = vec
        return 0

    lax.fori_loop(0, nrows * (width // LANES), body, 0)


def _sc_mesh():
    return plsc.VectorSubcoreMesh(
        core_axis_name="c", subcore_axis_name="s",
        num_cores=NC, num_subcores=NS)


def _edge_loop(wid, n_chunks, body):
    n_full = n_chunks // NW
    n_extra = n_chunks % NW

    def step(k, _):
        c = wid + k * NW
        base = pl.multiple_of(c * CHUNK, CHUNK)
        body(base)
        return 0

    n_mine = n_full + jnp.where(wid < n_extra, 1, 0)
    lax.fori_loop(0, n_mine, step, 0)


def _zero_slice(zero_v, acc_sh, off, rows):

    def body(b, _):
        pltpu.sync_copy(zero_v, acc_sh.at[pl.ds(off + b * ZROWS, ZROWS)])
        return 0

    lax.fori_loop(0, rows // ZROWS, body, 0)


def _sc_aggregate(h, src, dst, dep, shim_rows=0):
    n_nodes, d = h.shape
    e = src.shape[0]
    n_chunks = e // CHUNK
    rows_per_tile = n_nodes // NS

    @functools.partial(
        pl.kernel,
        out_type=jax.ShapeDtypeStruct((NC, n_nodes, d), jnp.float32),
        mesh=_sc_mesh(),
        scratch_types=[
            pltpu.VMEM((CHUNK,), jnp.int32),
            pltpu.VMEM((CHUNK,), jnp.int32),
            pltpu.VMEM((CHUNK, d), jnp.float32),
            pltpu.VMEM((ZROWS, d), jnp.float32),
            pltpu.VMEM((8, 128), jnp.float32),
            pltpu.VMEM((ZROWS,), jnp.int32),
            pltpu.VMEM_SHARED((shim_rows + 8, d), jnp.float32),
            pltpu.VMEM_SHARED((n_nodes, d), jnp.float32),
            pltpu.SemaphoreType.DMA,
        ],
    )
    def k(h_hbm, src_hbm, dst_hbm, dep_hbm, out_hbm,
          src_v, dst_v, rows_v, zero_v, dep_v, zidx_v, shim_sh, acc_sh, sem):
        cid = lax.axis_index("c")
        sid = lax.axis_index("s")
        wid = sid * NC + cid
        pltpu.sync_copy(dep_hbm, dep_v)
        pltpu.sync_copy(src_hbm.at[pl.ds(0, ZROWS)], zidx_v)
        _fill_rows(zero_v, ZROWS, d, 0.0)
        off = sid * rows_per_tile
        _zero_slice(zero_v, acc_sh, off, rows_per_tile)
        pltpu.sync_copy(zero_v, shim_sh.at[pl.ds(0, ZROWS)])
        plsc.subcore_barrier()

        def body(base):
            pltpu.sync_copy(src_hbm.at[pl.ds(base, CHUNK)], src_v)
            pltpu.sync_copy(dst_hbm.at[pl.ds(base, CHUNK)], dst_v)
            pltpu.async_copy(h_hbm.at[src_v], rows_v, sem).wait()
            pltpu.sync_copy(rows_v, acc_sh.at[dst_v], add=True)

        _edge_loop(wid, n_chunks, body)
        plsc.subcore_barrier()
        pltpu.sync_copy(zero_v, acc_sh.at[zidx_v], add=True)
        plsc.subcore_barrier()
        pltpu.sync_copy(acc_sh.at[pl.ds(off, rows_per_tile)],
                        out_hbm.at[cid, pl.ds(off, rows_per_tile)])

    return k(h, src, dst, dep)


_SHIM_SCHEDULE = (0, 256, 512, 768)


def _tc_combine(aggp, degp, h, wl_t, bl, wr_t, last):
    n_nodes, d = h.shape
    blk = 640

    def body(agg_ref, deg_ref, h_ref, wl_ref, bl_ref, wr_ref, out_ref):
        agg = agg_ref[0] + agg_ref[1]
        deg = deg_ref[0, :, 0:1] + deg_ref[1, :, 0:1]
        mean = agg / jnp.maximum(deg, 1.0)
        r = (jnp.dot(mean, wl_ref[...], preferred_element_type=jnp.float32)
             + bl_ref[...]
             + jnp.dot(h_ref[...], wr_ref[...],
                       preferred_element_type=jnp.float32))
        if last:
            m = jnp.max(r, axis=-1, keepdims=True)
            lse = jnp.log(jnp.sum(jnp.exp(r - m), axis=-1, keepdims=True)) + m
            out_ref[...] = r - lse
        else:
            out_ref[...] = jnp.maximum(r, 0.0)

    return pl.pallas_call(
        body,
        out_shape=jax.ShapeDtypeStruct((n_nodes, d), jnp.float32),
        grid=(n_nodes // blk,),
        in_specs=[
            pl.BlockSpec((NC, blk, d), lambda i: (0, i, 0)),
            pl.BlockSpec((NC, blk, d), lambda i: (0, i, 0)),
            pl.BlockSpec((blk, d), lambda i: (i, 0)),
            pl.BlockSpec((d, d), lambda i: (0, 0)),
            pl.BlockSpec((1, d), lambda i: (0, 0)),
            pl.BlockSpec((d, d), lambda i: (0, 0)),
        ],
        out_specs=pl.BlockSpec((blk, d), lambda i: (i, 0)),
    )(aggp, degp, h, wl_t, bl, wr_t)


def kernel(x, edge_index, Wl1, bl1, Wr1, Wl2, bl2, Wr2, Wl3, bl3, Wr3):
    src = edge_index[0].astype(jnp.int32)
    dst = edge_index[1].astype(jnp.int32)
    n_nodes = x.shape[0]
    n_pad = ((n_nodes + 8 * NS - 1) // (8 * NS)) * (8 * NS)
    xp = jnp.pad(x, ((0, n_pad - n_nodes), (0, 0)))

    ones = jnp.ones((n_pad, x.shape[1]), jnp.float32)
    degp = _sc_aggregate(ones, dst, dst, jnp.zeros((8, 128), jnp.float32),
                         shim_rows=_SHIM_SCHEDULE[0])
    keep = [degp, xp, ones]
    h = xp
    prev = degp
    layers = [(Wl1, bl1, Wr1, False), (Wl2, bl2, Wr2, False),
              (Wl3, bl3, Wr3, True)]
    for li, (wl, bl, wr, last) in enumerate(layers):
        aggp = _sc_aggregate(h, src, dst, prev[0, :8, :],
                             shim_rows=_SHIM_SCHEDULE[li + 1])
        prev = aggp
        h = _tc_combine(aggp, degp, h, wl.T, bl.reshape(1, -1), wr.T, last)
        keep.extend([aggp, h])
    eps = jnp.float32(0.0)
    for t in keep:
        eps = jnp.minimum(jnp.max(jnp.abs(t)), eps)
    res = lax.optimization_barrier(tuple([h + eps, src, dst] + keep))
    return res[0][:n_nodes]

# --- scband reference (transcript-rebuilt; emitter-appended) ---
"""Pipeline reference for scband-sage-78408922955889 (READ-ONLY COPY).

The authoritative reference and input builder live on the scoring server;
editing this copy changes nothing except your own understanding.
"""

import jax, jax.numpy as jnp
import numpy as np

N = 10000
E = 320000
D_IN = 128
D_HID = 128
D_OUT = 128


def _glorot(key, shape):
    fan_in, fan_out = shape[1], shape[0]
    lim = (6.0 / (fan_in + fan_out)) ** 0.5
    return jax.random.uniform(key, shape, jnp.float32, -lim, lim)


def setup_inputs(seed: int = 0) -> dict:
    key = jax.random.key(seed)
    ks = jax.random.split(key, 12)
    x = jax.random.normal(ks[0], (N, D_IN), dtype=jnp.float32)
    edge_index = jax.random.randint(ks[1], (2, E), 0, N, dtype=jnp.int64)
    params = {
        'Wl1': _glorot(ks[2], (D_HID, D_IN)),
        'bl1': jnp.zeros((D_HID,), jnp.float32),
        'Wr1': _glorot(ks[3], (D_HID, D_IN)),
        'Wl2': _glorot(ks[4], (D_HID, D_HID)),
        'bl2': jnp.zeros((D_HID,), jnp.float32),
        'Wr2': _glorot(ks[5], (D_HID, D_HID)),
        'Wl3': _glorot(ks[6], (D_OUT, D_HID)),
        'bl3': jnp.zeros((D_OUT,), jnp.float32),
        'Wr3': _glorot(ks[7], (D_OUT, D_HID)),
    }
    return {'x': x, 'edge_index': edge_index, **params}


def _sage_conv(x, src, dst, Wl, bl, Wr):
    # mean aggregation of source-node features at destination nodes
    msgs = jnp.take(x, src, axis=0)
    agg = jax.ops.segment_sum(msgs, dst, num_segments=N)
    deg = jax.ops.segment_sum(jnp.ones((E,), jnp.float32), dst, num_segments=N)
    mean = agg / jnp.clip(deg, 1.0)[:, None]
    return mean @ Wl.T + bl + x @ Wr.T


def reference(x, edge_index, Wl1, bl1, Wr1, Wl2, bl2, Wr2, Wl3, bl3, Wr3):
    src = edge_index[0]
    dst = edge_index[1]
    # eval mode: dropout is identity
    h = _sage_conv(x, src, dst, Wl1, bl1, Wr1)
    h = jax.nn.relu(h)
    h = _sage_conv(h, src, dst, Wl2, bl2, Wr2)
    h = jax.nn.relu(h)
    h = _sage_conv(h, src, dst, Wl3, bl3, Wr3)
    return jax.nn.log_softmax(h, axis=-1)

if __name__ == "__main__":
    import jax
    _d = setup_inputs()
    print(jax.jit(kernel)(*tuple(_d.values())))

</pallas_src>

<mosaic_0001>
#map = affine_map<(d0, d1) -> (0, 0)>
#map1 = affine_map<(d0, d1) -> (0)>
#map2 = affine_map<(d0, d1) -> (0, 0, 0)>
module attributes {stable_mosaic.version = 14 : i64} {
  func.func @k(%arg0: i32, %arg1: i32, %arg2: memref<10112x128xf32, #tpu.memory_space<hbm>>, %arg3: memref<320000xi32, #tpu.memory_space<hbm>>, %arg4: memref<320000xi32, #tpu.memory_space<hbm>>, %arg5: memref<8x128xf32, #tpu.memory_space<hbm>>, %arg6: memref<2x10112x128xf32, #tpu.memory_space<hbm>>, %arg7: memref<128xi32, #tpu.memory_space<vmem>>, %arg8: memref<128xi32, #tpu.memory_space<vmem>>, %arg9: memref<128x128xf32, #tpu.memory_space<vmem>>, %arg10: memref<16x128xf32, #tpu.memory_space<vmem>>, %arg11: memref<8x128xf32, #tpu.memory_space<vmem>>, %arg12: memref<16xi32, #tpu.memory_space<vmem>>, %arg13: memref<264x128xf32, #tpu.memory_space<vmem_shared>>, %arg14: memref<10112x128xf32, #tpu.memory_space<vmem_shared>>, %arg15: memref<!tpu.dma_semaphore, #tpu.memory_space<semaphore_mem>>) attributes {dimension_semantics = [#tpu.dimension_semantics<core_parallel>, #tpu.dimension_semantics<subcore_parallel>], iteration_bounds = array<i64: 2, 16>, scalar_prefetch = 0 : i64, scratch_operands = 9 : i64, tpu.core_type = #tpu.core_type<sc_vector_subcore>, window_params = [{transform_indices = #map}, {transform_indices = #map1}, {transform_indices = #map1}, {transform_indices = #map}, {transform_indices = #map2}]} {
    %mul3A = arith.constant 2 : i32
    %mul3A_0 = arith.muli %arg1, %mul3A : i32
    %add3A = arith.addi %mul3A_0, %arg0 : i32
    "tpu.region"() ({
      %run_scoped3A = tpu.sem_alloc : memref<!tpu.dma_semaphore, #tpu.memory_space<semaphore_mem>>
      tpu.enqueue_dma source(%arg5 : memref<8x128xf32, #tpu.memory_space<hbm>>) target(%arg11 : memref<8x128xf32, #tpu.memory_space<vmem>>) target_semaphore(%run_scoped3A : memref<!tpu.dma_semaphore, #tpu.memory_space<semaphore_mem>>)
      tpu.wait_dma2 semaphore(%run_scoped3A : memref<!tpu.dma_semaphore, #tpu.memory_space<semaphore_mem>>) src(%arg5 : memref<8x128xf32, #tpu.memory_space<hbm>>) dst(%arg11 : memref<8x128xf32, #tpu.memory_space<vmem>>)
      tpu.yield
    }) : () -> ()
    "tpu.region"() ({
      %run_scoped3A = tpu.sem_alloc : memref<!tpu.dma_semaphore, #tpu.memory_space<semaphore_mem>>
      %dma_start3A = arith.constant 0 : i32
      %dma_start3A_34 = tpu.memref_slice %arg3[%dma_start3A] : memref<320000xi32, #tpu.memory_space<hbm>> -> memref<16xi32, #tpu.memory_space<hbm>>
      %dma_start3A_35 = arith.constant 0 : i32
      %dma_start3A_36 = tpu.memref_slice %arg3[%dma_start3A_35] : memref<320000xi32, #tpu.memory_space<hbm>> -> memref<16xi32, #tpu.memory_space<hbm>>
      tpu.enqueue_dma source(%dma_start3A_36 : memref<16xi32, #tpu.memory_space<hbm>>) target(%arg12 : memref<16xi32, #tpu.memory_space<vmem>>) target_semaphore(%run_scoped3A : memref<!tpu.dma_semaphore, #tpu.memory_space<semaphore_mem>>)
      %dma_wait3A = arith.constant 0 : i32
      %dma_wait3A_37 = tpu.memref_slice %arg3[%dma_wait3A] : memref<320000xi32, #tpu.memory_space<hbm>> -> memref<16xi32, #tpu.memory_space<hbm>>
      %dma_wait3A_38 = arith.constant 0 : i32
      %dma_wait3A_39 = tpu.memref_slice %arg3[%dma_wait3A_38] : memref<320000xi32, #tpu.memory_space<hbm>> -> memref<16xi32, #tpu.memory_space<hbm>>
      tpu.wait_dma2 semaphore(%run_scoped3A : memref<!tpu.dma_semaphore, #tpu.memory_space<semaphore_mem>>) src(%dma_wait3A_39 : memref<16xi32, #tpu.memory_space<hbm>>) dst(%arg12 : memref<16xi32, #tpu.memory_space<vmem>>)
      tpu.yield
    }) : () -> ()
    %broadcast_in_dim3A = arith.constant 0.000000e+00 : f32
    %broadcast_in_dim3A_1 = vector.broadcast %broadcast_in_dim3A : f32 to vector<16xf32>
    %scan3A = arith.constant 0 : i32
    %scan3A_2 = arith.constant 0 : i32
    %scan3A_3 = arith.constant 128 : i32
    %scan3A_4 = arith.addi %scan3A_2, %scan3A_3 : i32
    %scan3A_5 = arith.constant 1 : i32
    %scan3A_6 = scf.for %scan3A_34 = %scan3A_2 to %scan3A_4 step %scan3A_5 iter_args(%scan3A_35 = %scan3A) -> (i32)  : i32 {
      %jit3A_36 = arith.constant 8 : i32
      %div3A = arith.divsi %scan3A_34, %jit3A_36 : i32
      %sign3A = arith.constant 0 : i32
      %sign3A_37 = arith.cmpi sgt, %scan3A_34, %sign3A : i32
      %sign3A_38 = arith.extui %sign3A_37 : i1 to i32
      %sign3A_39 = arith.constant 0 : i32
      %sign3A_40 = arith.cmpi slt, %scan3A_34, %sign3A_39 : i32
      %sign3A_41 = arith.extui %sign3A_40 : i1 to i32
      %sign3A_42 = arith.subi %sign3A_38, %sign3A_41 : i32
      %sign3A_43 = arith.constant 0 : i32
      %sign3A_44 = arith.cmpi sgt, %jit3A_36, %sign3A_43 : i32
      %sign3A_45 = arith.extui %sign3A_44 : i1 to i32
      %sign3A_46 = arith.constant 0 : i32
      %sign3A_47 = arith.cmpi slt, %jit3A_36, %sign3A_46 : i32
      %sign3A_48 = arith.extui %sign3A_47 : i1 to i32
      %sign3A_49 = arith.subi %sign3A_45, %sign3A_48 : i32
      %ne3A = arith.cmpi ne, %sign3A_42, %sign3A_49 : i32
      %rem3A = arith.remsi %scan3A_34, %jit3A_36 : i32
      %ne3A_50 = arith.constant 0 : i32
      %ne3A_51 = arith.cmpi ne, %rem3A, %ne3A_50 : i32
      %and3A = arith.andi %ne3A, %ne3A_51 : i1
      %sub3A = arith.constant 1 : i32
      %sub3A_52 = arith.subi %div3A, %sub3A : i32
      %select_n3A_53 = arith.select %and3A, %sub3A_52, %div3A : i32
      %jit3A_54 = arith.constant 8 : i32
      %eq3A = arith.constant 0 : i32
      %eq3A_55 = arith.cmpi eq, %jit3A_54, %eq3A : i32
      %jit3A_56 = arith.constant 1 : i32
      %select_n3A_57 = arith.select %eq3A_55, %jit3A_56, %jit3A_54 : i32
      %rem3A_58 = arith.remsi %scan3A_34, %select_n3A_57 : i32
      %ne3A_59 = arith.constant 0 : i32
      %ne3A_60 = arith.cmpi ne, %rem3A_58, %ne3A_59 : i32
      %lt3A_61 = arith.constant 0 : i32
      %lt3A_62 = arith.cmpi slt, %rem3A_58, %lt3A_61 : i32
      %lt3A_63 = arith.constant 0 : i32
      %lt3A_64 = arith.cmpi slt, %select_n3A_57, %lt3A_63 : i32
      %ne3A_65 = arith.xori %lt3A_62, %lt3A_64 : i1
      %and3A_66 = arith.andi %ne3A_65, %ne3A_60 : i1
      %add3A_67 = arith.addi %rem3A_58, %select_n3A_57 : i32
      %select_n3A_68 = arith.select %and3A_66, %add3A_67, %rem3A_58 : i32
      %mul3A_69 = arith.constant 16 : i32
      %mul3A_70 = arith.muli %select_n3A_68, %mul3A_69 : i32
      %swap3A = arith.index_cast %select_n3A_53 : i32 to index
      %swap3A_71 = arith.index_cast %mul3A_70 : i32 to index
      %swap3A_72 = tpu.vector_load %arg10[%swap3A, %swap3A_71] {strides = array<i32>} : memref<16x128xf32, #tpu.memory_space<vmem>>, vector<1x16xf32>,
      %swap3A_73 = vector.shape_cast %swap3A_72 : vector<1x16xf32> to vector<16xf32>
      %swap3A_74 = vector.shape_cast %broadcast_in_dim3A_1 : vector<16xf32> to vector<1x16xf32>
      tpu.vector_store %arg10[%swap3A, %swap3A_71], %swap3A_74 {strides = array<i32>} : memref<16x128xf32, #tpu.memory_space<vmem>>, vector<1x16xf32>,
      %scan3A_75 = arith.constant 0 : i32
      scf.yield %scan3A_75 : i32
    }
    %scan3A_7 = arith.constant 128 : i32
    %mul3A_8 = arith.constant 632 : i32
    %mul3A_9 = arith.muli %arg1, %mul3A_8 : i32
    %scan3A_10 = arith.constant 0 : i32
    %scan3A_11 = arith.constant 0 : i32
    %scan3A_12 = arith.constant 39 : i32
    %scan3A_13 = arith.addi %scan3A_11, %scan3A_12 : i32
    %scan3A_14 = arith.constant 1 : i32
    %scan3A_15 = scf.for %scan3A_34 = %scan3A_11 to %scan3A_13 step %scan3A_14 iter_args(%scan3A_35 = %scan3A_10) -> (i32)  : i32 {
      %mul3A_36 = arith.constant 16 : i32
      %mul3A_37 = arith.muli %scan3A_34, %mul3A_36 : i32
      %add3A_38 = arith.addi %mul3A_9, %mul3A_37 : i32
      "tpu.region"() ({
        %run_scoped3A = tpu.sem_alloc : memref<!tpu.dma_semaphore, #tpu.memory_space<semaphore_mem>>
        %dma_start3A = arith.constant 0 : i32
        %dma_start3A_40 = tpu.memref_slice %arg14[%add3A_38, %dma_start3A] : memref<10112x128xf32, #tpu.memory_space<vmem_shared>> -> memref<16x128xf32, #tpu.memory_space<vmem_shared>>
        %dma_start3A_41 = arith.constant 0 : i32
        %dma_start3A_42 = tpu.memref_slice %arg14[%add3A_38, %dma_start3A_41] : memref<10112x128xf32, #tpu.memory_space<vmem_shared>> -> memref<16x128xf32, #tpu.memory_space<vmem_shared>>
        tpu.enqueue_dma source(%arg10 : memref<16x128xf32, #tpu.memory_space<vmem>>) target(%dma_start3A_42 : memref<16x128xf32, #tpu.memory_space<vmem_shared>>) target_semaphore(%run_scoped3A : memref<!tpu.dma_semaphore, #tpu.memory_space<semaphore_mem>>)
        %dma_wait3A = arith.constant 0 : i32
        %dma_wait3A_43 = tpu.memref_slice %arg14[%add3A_38, %dma_wait3A] : memref<10112x128xf32, #tpu.memory_space<vmem_shared>> -> memref<16x128xf32, #tpu.memory_space<vmem_shared>>
        %dma_wait3A_44 = arith.constant 0 : i32
        %dma_wait3A_45 = tpu.memref_slice %arg14[%add3A_38, %dma_wait3A_44] : memref<10112x128xf32, #tpu.memory_space<vmem_shared>> -> memref<16x128xf32, #tpu.memory_space<vmem_shared>>
        tpu.wait_dma2 semaphore(%run_scoped3A : memref<!tpu.dma_semaphore, #tpu.memory_space<semaphore_mem>>) src(%arg10 : memref<16x128xf32, #tpu.memory_space<vmem>>) dst(%dma_wait3A_45 : memref<16x128xf32, #tpu.memory_space<vmem_shared>>)
        tpu.yield
      }) : () -> ()
      %scan3A_39 = arith.constant 0 : i32
      scf.yield %scan3A_39 : i32
    }
    %scan3A_16 = arith.constant 39 : i32
    "tpu.region"() ({
      %run_scoped3A = tpu.sem_alloc : memref<!tpu.dma_semaphore, #tpu.memory_space<semaphore_mem>>
      %dma_start3A = arith.constant 0 : i32
      %dma_start3A_34 = arith.constant 0 : i32
      %dma_start3A_35 = tpu.memref_slice %arg13[%dma_start3A, %dma_start3A_34] : memref<264x128xf32, #tpu.memory_space<vmem_shared>> -> memref<16x128xf32, #tpu.memory_space<vmem_shared>>
      %dma_start3A_36 = arith.constant 0 : i32
      %dma_start3A_37 = arith.constant 0 : i32
      %dma_start3A_38 = tpu.memref_slice %arg13[%dma_start3A_36, %dma_start3A_37] : memref<264x128xf32, #tpu.memory_space<vmem_shared>> -> memref<16x128xf32, #tpu.memory_space<vmem_shared>>
      tpu.enqueue_dma source(%arg10 : memref<16x128xf32, #tpu.memory_space<vmem>>) target(%dma_start3A_38 : memref<16x128xf32, #tpu.memory_space<vmem_shared>>) target_semaphore(%run_scoped3A : memref<!tpu.dma_semaphore, #tpu.memory_space<semaphore_mem>>)
      %dma_wait3A = arith.constant 0 : i32
      %dma_wait3A_39 = arith.constant 0 : i32
      %dma_wait3A_40 = tpu.memref_slice %arg13[%dma_wait3A, %dma_wait3A_39] : memref<264x128xf32, #tpu.memory_space<vmem_shared>> -> memref<16x128xf32, #tpu.memory_space<vmem_shared>>
      %dma_wait3A_41 = arith.constant 0 : i32
      %dma_wait3A_42 = arith.constant 0 : i32
      %dma_wait3A_43 = tpu.memref_slice %arg13[%dma_wait3A_41, %dma_wait3A_42] : memref<264x128xf32, #tpu.memory_space<vmem_shared>> -> memref<16x128xf32, #tpu.memory_space<vmem_shared>>
      tpu.wait_dma2 semaphore(%run_scoped3A : memref<!tpu.dma_semaphore, #tpu.memory_space<semaphore_mem>>) src(%arg10 : memref<16x128xf32, #tpu.memory_space<vmem>>) dst(%dma_wait3A_43 : memref<16x128xf32, #tpu.memory_space<vmem_shared>>)
      tpu.yield
    }) : () -> ()
    %barrier3A = arith.constant 0 : index
    tpu.barrier barrier_id(%barrier3A)
    %lt3A = arith.constant 4 : i32
    %lt3A_17 = arith.cmpi slt, %add3A, %lt3A : i32
    %jit3A = arith.constant 1 : i32
    %jit3A_18 = arith.constant 0 : i32
    %select_n3A = arith.select %lt3A_17, %jit3A, %jit3A_18 : i32
    %add3A_19 = arith.constant 78 : i32
    %add3A_20 = arith.addi %add3A_19, %select_n3A : i32
    %while3A = arith.constant 0 : i32
    %while3A_21 = arith.constant 0 : i32
    %while3A_22 = arith.subi %add3A_20, %while3A : i32
    %while3A_23 = arith.addi %while3A, %while3A_22 : i32
    %while3A_24 = arith.constant 1 : i32
    %while3A_25 = arith.divsi %while3A_22, %while3A_24 : i32
    %while3A_26 = arith.muli %while3A_25, %while3A_24 : i32
    %while3A_27 = arith.addi %while3A, %while3A_26 : i32
    %while3A_28 = arith.constant 1 : i32
    %while3A_29 = scf.for %while3A_34 = %while3A to %while3A_27 step %while3A_28 iter_args(%while3A_35 = %while3A_21) -> (i32)  : i32 {
      %mul3A_36 = arith.constant 32 : i32
      %mul3A_37 = arith.muli %while3A_34, %mul3A_36 : i32
      %add3A_38 = arith.addi %add3A, %mul3A_37 : i32
      %mul3A_39 = arith.constant 128 : i32
      %mul3A_40 = arith.muli %add3A_38, %mul3A_39 : i32
      %multiple_of3A = tpu.assume_multiple %mul3A_40, 128 : i32
      "tpu.region"() ({
        %run_scoped3A = tpu.sem_alloc : memref<!tpu.dma_semaphore, #tpu.memory_space<semaphore_mem>>
        %dma_start3A_46 = tpu.memref_slice %arg3[%multiple_of3A] : memref<320000xi32, #tpu.memory_space<hbm>> -> memref<128xi32, #tpu.memory_space<hbm>>
        %dma_start3A_47 = tpu.memref_slice %arg3[%multiple_of3A] : memref<320000xi32, #tpu.memory_space<hbm>> -> memref<128xi32, #tpu.memory_space<hbm>>
        tpu.enqueue_dma source(%dma_start3A_47 : memref<128xi32, #tpu.memory_space<hbm>>) target(%arg7 : memref<128xi32, #tpu.memory_space<vmem>>) target_semaphore(%run_scoped3A : memref<!tpu.dma_semaphore, #tpu.memory_space<semaphore_mem>>)
        %dma_wait3A_48 = tpu.memref_slice %arg3[%multiple_of3A] : memref<320000xi32, #tpu.memory_space<hbm>> -> memref<128xi32, #tpu.memory_space<hbm>>
        %dma_wait3A_49 = tpu.memref_slice %arg3[%multiple_of3A] : memref<320000xi32, #tpu.memory_space<hbm>> -> memref<128xi32, #tpu.memory_space<hbm>>
        tpu.wait_dma2 semaphore(%run_scoped3A : memref<!tpu.dma_semaphore, #tpu.memory_space<semaphore_mem>>) src(%dma_wait3A_49 : memref<128xi32, #tpu.memory_space<hbm>>) dst(%arg7 : memref<128xi32, #tpu.memory_space<vmem>>)
        tpu.yield
      }) : () -> ()
      "tpu.region"() ({
        %run_scoped3A = tpu.sem_alloc : memref<!tpu.dma_semaphore, #tpu.memory_space<semaphore_mem>>
        %dma_start3A_46 = tpu.memref_slice %arg4[%multiple_of3A] : memref<320000xi32, #tpu.memory_space<hbm>> -> memref<128xi32, #tpu.memory_space<hbm>>
        %dma_start3A_47 = tpu.memref_slice %arg4[%multiple_of3A] : memref<320000xi32, #tpu.memory_space<hbm>> -> memref<128xi32, #tpu.memory_space<hbm>>
        tpu.enqueue_dma source(%dma_start3A_47 : memref<128xi32, #tpu.memory_space<hbm>>) target(%arg8 : memref<128xi32, #tpu.memory_space<vmem>>) target_semaphore(%run_scoped3A : memref<!tpu.dma_semaphore, #tpu.memory_space<semaphore_mem>>)
        %dma_wait3A_48 = tpu.memref_slice %arg4[%multiple_of3A] : memref<320000xi32, #tpu.memory_space<hbm>> -> memref<128xi32, #tpu.memory_space<hbm>>
        %dma_wait3A_49 = tpu.memref_slice %arg4[%multiple_of3A] : memref<320000xi32, #tpu.memory_space<hbm>> -> memref<128xi32, #tpu.memory_space<hbm>>
        tpu.wait_dma2 semaphore(%run_scoped3A : memref<!tpu.dma_semaphore, #tpu.memory_space<semaphore_mem>>) src(%dma_wait3A_49 : memref<128xi32, #tpu.memory_space<hbm>>) dst(%arg8 : memref<128xi32, #tpu.memory_space<vmem>>)
        tpu.yield
      }) : () -> ()
      %dma_start3A = arith.constant 0 : i32
      %dma_start3A_41 = arith.constant 0 : i32
      %dma_start3A_42 = tpu.memref_slice %arg2[%dma_start3A, %dma_start3A_41] : memref<10112x128xf32, #tpu.memory_space<hbm>> -> memref<10112x128xf32, #tpu.memory_space<hbm>>
      tpu.enqueue_indirect_dma source(%dma_start3A_42 : memref<10112x128xf32, #tpu.memory_space<hbm>>) target(%arg9 : memref<128x128xf32, #tpu.memory_space<vmem>>) offsets(%arg7 : memref<128xi32, #tpu.memory_space<vmem>>) semaphore(%arg15 : memref<!tpu.dma_semaphore, #tpu.memory_space<semaphore_mem>>)
      %dma_wait3A = arith.constant 0 : i32
      %dma_wait3A_43 = arith.constant 0 : i32
      %dma_wait3A_44 = tpu.memref_slice %arg2[%dma_wait3A, %dma_wait3A_43] : memref<10112x128xf32, #tpu.memory_space<hbm>> -> memref<10112x128xf32, #tpu.memory_space<hbm>>
      tpu.wait_indirect_dma semaphore(%arg15 : memref<!tpu.dma_semaphore, #tpu.memory_space<semaphore_mem>>) src(%dma_wait3A_44 : memref<10112x128xf32, #tpu.memory_space<hbm>>) dst(%arg9 : memref<128x128xf32, #tpu.memory_space<vmem>>)
      "tpu.region"() ({
        %run_scoped3A = tpu.sem_alloc : memref<!tpu.dma_semaphore, #tpu.memory_space<semaphore_mem>>
        %dma_start3A_46 = arith.constant 0 : i32
        %dma_start3A_47 = arith.constant 0 : i32
        %dma_start3A_48 = tpu.memref_slice %arg14[%dma_start3A_46, %dma_start3A_47] : memref<10112x128xf32, #tpu.memory_space<vmem_shared>> -> memref<10112x128xf32, #tpu.memory_space<vmem_shared>>
        tpu.enqueue_indirect_dma source(%arg9 : memref<128x128xf32, #tpu.memory_space<vmem>>) target(%dma_start3A_48 : memref<10112x128xf32, #tpu.memory_space<vmem_shared>>) offsets(%arg8 : memref<128xi32, #tpu.memory_space<vmem>>) semaphore(%run_scoped3A : memref<!tpu.dma_semaphore, #tpu.memory_space<semaphore_mem>>) {add = true}
        %dma_wait3A_49 = arith.constant 0 : i32
        %dma_wait3A_50 = arith.constant 0 : i32
        %dma_wait3A_51 = tpu.memref_slice %arg14[%dma_wait3A_49, %dma_wait3A_50] : memref<10112x128xf32, #tpu.memory_space<vmem_shared>> -> memref<10112x128xf32, #tpu.memory_space<vmem_shared>>
        tpu.wait_indirect_dma semaphore(%run_scoped3A : memref<!tpu.dma_semaphore, #tpu.memory_space<semaphore_mem>>) src(%arg9 : memref<128x128xf32, #tpu.memory_space<vmem>>) dst(%dma_wait3A_51 : memref<10112x128xf32, #tpu.memory_space<vmem_shared>>)
        tpu.yield
      }) : () -> ()
      %while3A_45 = arith.constant 0 : i32
      scf.yield %while3A_45 : i32
    }
    %while3A_30 = arith.constant 1 : i32
    %while3A_31 = scf.for %while3A_34 = %while3A_27 to %while3A_23 step %while3A_30 iter_args(%while3A_35 = %while3A_29) -> (i32)  : i32 {
      %mul3A_36 = arith.constant 32 : i32
      %mul3A_37 = arith.muli %while3A_34, %mul3A_36 : i32
      %add3A_38 = arith.addi %add3A, %mul3A_37 : i32
      %mul3A_39 = arith.constant 128 : i32
      %mul3A_40 = arith.muli %add3A_38, %mul3A_39 : i32
      %multiple_of3A = tpu.assume_multiple %mul3A_40, 128 : i32
      "tpu.region"() ({
        %run_scoped3A = tpu.sem_alloc : memref<!tpu.dma_semaphore, #tpu.memory_space<semaphore_mem>>
        %dma_start3A_46 = tpu.memref_slice %arg3[%multiple_of3A] : memref<320000xi32, #tpu.memory_space<hbm>> -> memref<128xi32, #tpu.memory_space<hbm>>
        %dma_start3A_47 = tpu.memref_slice %arg3[%multiple_of3A] : memref<320000xi32, #tpu.memory_space<hbm>> -> memref<128xi32, #tpu.memory_space<hbm>>
        tpu.enqueue_dma source(%dma_start3A_47 : memref<128xi32, #tpu.memory_space<hbm>>) target(%arg7 : memref<128xi32, #tpu.memory_space<vmem>>) target_semaphore(%run_scoped3A : memref<!tpu.dma_semaphore, #tpu.memory_space<semaphore_mem>>)
        %dma_wait3A_48 = tpu.memref_slice %arg3[%multiple_of3A] : memref<320000xi32, #tpu.memory_space<hbm>> -> memref<128xi32, #tpu.memory_space<hbm>>
        %dma_wait3A_49 = tpu.memref_slice %arg3[%multiple_of3A] : memref<320000xi32, #tpu.memory_space<hbm>> -> memref<128xi32, #tpu.memory_space<hbm>>
        tpu.wait_dma2 semaphore(%run_scoped3A : memref<!tpu.dma_semaphore, #tpu.memory_space<semaphore_mem>>) src(%dma_wait3A_49 : memref<128xi32, #tpu.memory_space<hbm>>) dst(%arg7 : memref<128xi32, #tpu.memory_space<vmem>>)
        tpu.yield
      }) : () -> ()
      "tpu.region"() ({
        %run_scoped3A = tpu.sem_alloc : memref<!tpu.dma_semaphore, #tpu.memory_space<semaphore_mem>>
        %dma_start3A_46 = tpu.memref_slice %arg4[%multiple_of3A] : memref<320000xi32, #tpu.memory_space<hbm>> -> memref<128xi32, #tpu.memory_space<hbm>>
        %dma_start3A_47 = tpu.memref_slice %arg4[%multiple_of3A] : memref<320000xi32, #tpu.memory_space<hbm>> -> memref<128xi32, #tpu.memory_space<hbm>>
        tpu.enqueue_dma source(%dma_start3A_47 : memref<128xi32, #tpu.memory_space<hbm>>) target(%arg8 : memref<128xi32, #tpu.memory_space<vmem>>) target_semaphore(%run_scoped3A : memref<!tpu.dma_semaphore, #tpu.memory_space<semaphore_mem>>)
        %dma_wait3A_48 = tpu.memref_slice %arg4[%multiple_of3A] : memref<320000xi32, #tpu.memory_space<hbm>> -> memref<128xi32, #tpu.memory_space<hbm>>
        %dma_wait3A_49 = tpu.memref_slice %arg4[%multiple_of3A] : memref<320000xi32, #tpu.memory_space<hbm>> -> memref<128xi32, #tpu.memory_space<hbm>>
        tpu.wait_dma2 semaphore(%run_scoped3A : memref<!tpu.dma_semaphore, #tpu.memory_space<semaphore_mem>>) src(%dma_wait3A_49 : memref<128xi32, #tpu.memory_space<hbm>>) dst(%arg8 : memref<128xi32, #tpu.memory_space<vmem>>)
        tpu.yield
      }) : () -> ()
      %dma_start3A = arith.constant 0 : i32
      %dma_start3A_41 = arith.constant 0 : i32
      %dma_start3A_42 = tpu.memref_slice %arg2[%dma_start3A, %dma_start3A_41] : memref<10112x128xf32, #tpu.memory_space<hbm>> -> memref<10112x128xf32, #tpu.memory_space<hbm>>
      tpu.enqueue_indirect_dma source(%dma_start3A_42 : memref<10112x128xf32, #tpu.memory_space<hbm>>) target(%arg9 : memref<128x128xf32, #tpu.memory_space<vmem>>) offsets(%arg7 : memref<128xi32, #tpu.memory_space<vmem>>) semaphore(%arg15 : memref<!tpu.dma_semaphore, #tpu.memory_space<semaphore_mem>>)
      %dma_wait3A = arith.constant 0 : i32
      %dma_wait3A_43 = arith.constant 0 : i32
      %dma_wait3A_44 = tpu.memref_slice %arg2[%dma_wait3A, %dma_wait3A_43] : memref<10112x128xf32, #tpu.memory_space<hbm>> -> memref<10112x128xf32, #tpu.memory_space<hbm>>
      tpu.wait_indirect_dma semaphore(%arg15 : memref<!tpu.dma_semaphore, #tpu.memory_space<semaphore_mem>>) src(%dma_wait3A_44 : memref<10112x128xf32, #tpu.memory_space<hbm>>) dst(%arg9 : memref<128x128xf32, #tpu.memory_space<vmem>>)
      "tpu.region"() ({
        %run_scoped3A = tpu.sem_alloc : memref<!tpu.dma_semaphore, #tpu.memory_space<semaphore_mem>>
        %dma_start3A_46 = arith.constant 0 : i32
        %dma_start3A_47 = arith.constant 0 : i32
        %dma_start3A_48 = tpu.memref_slice %arg14[%dma_start3A_46, %dma_start3A_47] : memref<10112x128xf32, #tpu.memory_space<vmem_shared>> -> memref<10112x128xf32, #tpu.memory_space<vmem_shared>>
        tpu.enqueue_indirect_dma source(%arg9 : memref<128x128xf32, #tpu.memory_space<vmem>>) target(%dma_start3A_48 : memref<10112x128xf32, #tpu.memory_space<vmem_shared>>) offsets(%arg8 : memref<128xi32, #tpu.memory_space<vmem>>) semaphore(%run_scoped3A : memref<!tpu.dma_semaphore, #tpu.memory_space<semaphore_mem>>) {add = true}
        %dma_wait3A_49 = arith.constant 0 : i32
        %dma_wait3A_50 = arith.constant 0 : i32
        %dma_wait3A_51 = tpu.memref_slice %arg14[%dma_wait3A_49, %dma_wait3A_50] : memref<10112x128xf32, #tpu.memory_space<vmem_shared>> -> memref<10112x128xf32, #tpu.memory_space<vmem_shared>>
        tpu.wait_indirect_dma semaphore(%run_scoped3A : memref<!tpu.dma_semaphore, #tpu.memory_space<semaphore_mem>>) src(%arg9 : memref<128x128xf32, #tpu.memory_space<vmem>>) dst(%dma_wait3A_51 : memref<10112x128xf32, #tpu.memory_space<vmem_shared>>)
        tpu.yield
      }) : () -> ()
      %while3A_45 = arith.constant 0 : i32
      scf.yield %while3A_45 : i32
    }
    %barrier3A_32 = arith.constant 0 : index
    tpu.barrier barrier_id(%barrier3A_32)
    "tpu.region"() ({
      %run_scoped3A = tpu.sem_alloc : memref<!tpu.dma_semaphore, #tpu.memory_space<semaphore_mem>>
      %dma_start3A = arith.constant 0 : i32
      %dma_start3A_34 = arith.constant 0 : i32
      %dma_start3A_35 = tpu.memref_slice %arg14[%dma_start3A, %dma_start3A_34] : memref<10112x128xf32, #tpu.memory_space<vmem_shared>> -> memref<10112x128xf32, #tpu.memory_space<vmem_shared>>
      tpu.enqueue_indirect_dma source(%arg10 : memref<16x128xf32, #tpu.memory_space<vmem>>) target(%dma_start3A_35 : memref<10112x128xf32, #tpu.memory_space<vmem_shared>>) offsets(%arg12 : memref<16xi32, #tpu.memory_space<vmem>>) semaphore(%run_scoped3A : memref<!tpu.dma_semaphore, #tpu.memory_space<semaphore_mem>>) {add = true}
      %dma_wait3A = arith.constant 0 : i32
      %dma_wait3A_36 = arith.constant 0 : i32
      %dma_wait3A_37 = tpu.memref_slice %arg14[%dma_wait3A, %dma_wait3A_36] : memref<10112x128xf32, #tpu.memory_space<vmem_shared>> -> memref<10112x128xf32, #tpu.memory_space<vmem_shared>>
      tpu.wait_indirect_dma semaphore(%run_scoped3A : memref<!tpu.dma_semaphore, #tpu.memory_space<semaphore_mem>>) src(%arg10 : memref<16x128xf32, #tpu.memory_space<vmem>>) dst(%dma_wait3A_37 : memref<10112x128xf32, #tpu.memory_space<vmem_shared>>)
      tpu.yield
    }) : () -> ()
    %barrier3A_33 = arith.constant 0 : index
    tpu.barrier barrier_id(%barrier3A_33)
    "tpu.region"() ({
      %run_scoped3A = tpu.sem_alloc : memref<!tpu.dma_semaphore, #tpu.memory_space<semaphore_mem>>
      %dma_start3A = arith.constant 0 : i32
      %dma_start3A_34 = tpu.memref_slice %arg6[%arg0, %mul3A_9, %dma_start3A] : memref<2x10112x128xf32, #tpu.memory_space<hbm>> -> memref<1x632x128xf32, #tpu.memory_space<hbm>>
      %dma_start3A_35 = tpu.memref_squeeze %dma_start3A_34 : memref<1x632x128xf32, #tpu.memory_space<hbm>> -> memref<632x128xf32, #tpu.memory_space<hbm>>
      %dma_start3A_36 = arith.constant 0 : i32
      %dma_start3A_37 = tpu.memref_slice %arg14[%mul3A_9, %dma_start3A_36] : memref<10112x128xf32, #tpu.memory_space<vmem_shared>> -> memref<632x128xf32, #tpu.memory_space<vmem_shared>>
      tpu.enqueue_dma source(%dma_start3A_37 : memref<632x128xf32, #tpu.memory_space<vmem_shared>>) target(%dma_start3A_35 : memref<632x128xf32, #tpu.memory_space<hbm>>) target_semaphore(%run_scoped3A : memref<!tpu.dma_semaphore, #tpu.memory_space<semaphore_mem>>)
      %dma_wait3A = arith.constant 0 : i32
      %dma_wait3A_38 = tpu.memref_slice %arg6[%arg0, %mul3A_9, %dma_wait3A] : memref<2x10112x128xf32, #tpu.memory_space<hbm>> -> memref<1x632x128xf32, #tpu.memory_space<hbm>>
      %dma_wait3A_39 = tpu.memref_squeeze %dma_wait3A_38 : memref<1x632x128xf32, #tpu.memory_space<hbm>> -> memref<632x128xf32, #tpu.memory_space<hbm>>
      %dma_wait3A_40 = arith.constant 0 : i32
      %dma_wait3A_41 = tpu.memref_slice %arg14[%mul3A_9, %dma_wait3A_40] : memref<10112x128xf32, #tpu.memory_space<vmem_shared>> -> memref<632x128xf32, #tpu.memory_space<vmem_shared>>
      tpu.wait_dma2 semaphore(%run_scoped3A : memref<!tpu.dma_semaphore, #tpu.memory_space<semaphore_mem>>) src(%dma_wait3A_41 : memref<632x128xf32, #tpu.memory_space<vmem_shared>>) dst(%dma_wait3A_39 : memref<632x128xf32, #tpu.memory_space<hbm>>)
      tpu.yield
    }) : () -> ()
    return
  }
}

#map = affine_map<(d0, d1) -> (0, 0)>
#map1 = affine_map<(d0, d1) -> (0)>
#map2 = affine_map<(d0, d1) -> (0, 0, 0)>
module attributes {stable_mosaic.version = 14 : i64} {
  func.func @k(%arg0: i32, %arg1: i32, %arg2: memref<10112x128xf32, #tpu.memory_space<hbm>>, %arg3: memref<320000xi32, #tpu.memory_space<hbm>>, %arg4: memref<320000xi32, #tpu.memory_space<hbm>>, %arg5: memref<8x128xf32, #tpu.memory_space<hbm>>, %arg6: memref<2x10112x128xf32, #tpu.memory_space<hbm>>, %arg7: memref<128xi32, #tpu.memory_space<vmem>>, %arg8: memref<128xi32, #tpu.memory_space<vmem>>, %arg9: memref<128x128xf32, #tpu.memory_space<vmem>>, %arg10: memref<16x128xf32, #tpu.memory_space<vmem>>, %arg11: memref<8x128xf32, #tpu.memory_space<vmem>>, %arg12: memref<16xi32, #tpu.memory_space<vmem>>, %arg13: memref<8x128xf32, #tpu.memory_space<vmem_shared>>, %arg14: memref<10112x128xf32, #tpu.memory_space<vmem_shared>>, %arg15: memref<!tpu.dma_semaphore, #tpu.memory_space<semaphore_mem>>) attributes {dimension_semantics = [#tpu.dimension_semantics<core_parallel>, #tpu.dimension_semantics<subcore_parallel>], iteration_bounds = array<i64: 2, 16>, scalar_prefetch = 0 : i64, scratch_operands = 9 : i64, tpu.core_type = #tpu.core_type<sc_vector_subcore>, window_params = [{transform_indices = #map}, {transform_indices = #map1}, {transform_indices = #map1}, {transform_indices = #map}, {transform_indices = #map2}]} {
    %mul3A = arith.constant 2 : i32
    %mul3A_0 = arith.muli %arg1, %mul3A : i32
    %add3A = arith.addi %mul3A_0, %arg0 : i32
    "tpu.region"() ({
      %run_scoped3A = tpu.sem_alloc : memref<!tpu.dma_semaphore, #tpu.memory_space<semaphore_mem>>
      tpu.enqueue_dma source(%arg5 : memref<8x128xf32, #tpu.memory_space<hbm>>) target(%arg11 : memref<8x128xf32, #tpu.memory_space<vmem>>) target_semaphore(%run_scoped3A : memref<!tpu.dma_semaphore, #tpu.memory_space<semaphore_mem>>)
      tpu.wait_dma2 semaphore(%run_scoped3A : memref<!tpu.dma_semaphore, #tpu.memory_space<semaphore_mem>>) src(%arg5 : memref<8x128xf32, #tpu.memory_space<hbm>>) dst(%arg11 : memref<8x128xf32, #tpu.memory_space<vmem>>)
      tpu.yield
    }) : () -> ()
    "tpu.region"() ({
      %run_scoped3A = tpu.sem_alloc : memref<!tpu.dma_semaphore, #tpu.memory_space<semaphore_mem>>
      %dma_start3A = arith.constant 0 : i32
      %dma_start3A_34 = tpu.memref_slice %arg3[%dma_start3A] : memref<320000xi32, #tpu.memory_space<hbm>> -> memref<16xi32, #tpu.memory_space<hbm>>
      %dma_start3A_35 = arith.constant 0 : i32
      %dma_start3A_36 = tpu.memref_slice %arg3[%dma_start3A_35] : memref<320000xi32, #tpu.memory_space<hbm>> -> memref<16xi32, #tpu.memory_space<hbm>>
      tpu.enqueue_dma source(%dma_start3A_36 : memref<16xi32, #tpu.memory_space<hbm>>) target(%arg12 : memref<16xi32, #tpu.memory_space<vmem>>) target_semaphore(%run_scoped3A : memref<!tpu.dma_semaphore, #tpu.memory_space<semaphore_mem>>)
      %dma_wait3A = arith.constant 0 : i32
      %dma_wait3A_37 = tpu.memref_slice %arg3[%dma_wait3A] : memref<320000xi32, #tpu.memory_space<hbm>> -> memref<16xi32, #tpu.memory_space<hbm>>
      %dma_wait3A_38 = arith.constant 0 : i32
      %dma_wait3A_39 = tpu.memref_slice %arg3[%dma_wait3A_38] : memref<320000xi32, #tpu.memory_space<hbm>> -> memref<16xi32, #tpu.memory_space<hbm>>
      tpu.wait_dma2 semaphore(%run_scoped3A : memref<!tpu.dma_semaphore, #tpu.memory_space<semaphore_mem>>) src(%dma_wait3A_39 : memref<16xi32, #tpu.memory_space<hbm>>) dst(%arg12 : memref<16xi32, #tpu.memory_space<vmem>>)
      tpu.yield
    }) : () -> ()
    %broadcast_in_dim3A = arith.constant 0.000000e+00 : f32
    %broadcast_in_dim3A_1 = vector.broadcast %broadcast_in_dim3A : f32 to vector<16xf32>
    %scan3A = arith.constant 0 : i32
    %scan3A_2 = arith.constant 0 : i32
    %scan3A_3 = arith.constant 128 : i32
    %scan3A_4 = arith.addi %scan3A_2, %scan3A_3 : i32
    %scan3A_5 = arith.constant 1 : i32
    %scan3A_6 = scf.for %scan3A_34 = %scan3A_2 to %scan3A_4 step %scan3A_5 iter_args(%scan3A_35 = %scan3A) -> (i32)  : i32 {
      %jit3A_36 = arith.constant 8 : i32
      %div3A = arith.divsi %scan3A_34, %jit3A_36 : i32
      %sign3A = arith.constant 0 : i32
      %sign3A_37 = arith.cmpi sgt, %scan3A_34, %sign3A : i32
      %sign3A_38 = arith.extui %sign3A_37 : i1 to i32
      %sign3A_39 = arith.constant 0 : i32
      %sign3A_40 = arith.cmpi slt, %scan3A_34, %sign3A_39 : i32
      %sign3A_41 = arith.extui %sign3A_40 : i1 to i32
      %sign3A_42 = arith.subi %sign3A_38, %sign3A_41 : i32
      %sign3A_43 = arith.constant 0 : i32
      %sign3A_44 = arith.cmpi sgt, %jit3A_36, %sign3A_43 : i32
      %sign3A_45 = arith.extui %sign3A_44 : i1 to i32
      %sign3A_46 = arith.constant 0 : i32
      %sign3A_47 = arith.cmpi slt, %jit3A_36, %sign3A_46 : i32
      %sign3A_48 = arith.extui %sign3A_47 : i1 to i32
      %sign3A_49 = arith.subi %sign3A_45, %sign3A_48 : i32
      %ne3A = arith.cmpi ne, %sign3A_42, %sign3A_49 : i32
      %rem3A = arith.remsi %scan3A_34, %jit3A_36 : i32
      %ne3A_50 = arith.constant 0 : i32
      %ne3A_51 = arith.cmpi ne, %rem3A, %ne3A_50 : i32
      %and3A = arith.andi %ne3A, %ne3A_51 : i1
      %sub3A = arith.constant 1 : i32
      %sub3A_52 = arith.subi %div3A, %sub3A : i32
      %select_n3A_53 = arith.select %and3A, %sub3A_52, %div3A : i32
      %jit3A_54 = arith.constant 8 : i32
      %eq3A = arith.constant 0 : i32
      %eq3A_55 = arith.cmpi eq, %jit3A_54, %eq3A : i32
      %jit3A_56 = arith.constant 1 : i32
      %select_n3A_57 = arith.select %eq3A_55, %jit3A_56, %jit3A_54 : i32
      %rem3A_58 = arith.remsi %scan3A_34, %select_n3A_57 : i32
      %ne3A_59 = arith.constant 0 : i32
      %ne3A_60 = arith.cmpi ne, %rem3A_58, %ne3A_59 : i32
      %lt3A_61 = arith.constant 0 : i32
      %lt3A_62 = arith.cmpi slt, %rem3A_58, %lt3A_61 : i32
      %lt3A_63 = arith.constant 0 : i32
      %lt3A_64 = arith.cmpi slt, %select_n3A_57, %lt3A_63 : i32
      %ne3A_65 = arith.xori %lt3A_62, %lt3A_64 : i1
      %and3A_66 = arith.andi %ne3A_65, %ne3A_60 : i1
      %add3A_67 = arith.addi %rem3A_58, %select_n3A_57 : i32
      %select_n3A_68 = arith.select %and3A_66, %add3A_67, %rem3A_58 : i32
      %mul3A_69 = arith.constant 16 : i32
      %mul3A_70 = arith.muli %select_n3A_68, %mul3A_69 : i32
      %swap3A = arith.index_cast %select_n3A_53 : i32 to index
      %swap3A_71 = arith.index_cast %mul3A_70 : i32 to index
      %swap3A_72 = tpu.vector_load %arg10[%swap3A, %swap3A_71] {strides = array<i32>} : memref<16x128xf32, #tpu.memory_space<vmem>>, vector<1x16xf32>,
      %swap3A_73 = vector.shape_cast %swap3A_72 : vector<1x16xf32> to vector<16xf32>
      %swap3A_74 = vector.shape_cast %broadcast_in_dim3A_1 : vector<16xf32> to vector<1x16xf32>
      tpu.vector_store %arg10[%swap3A, %swap3A_71], %swap3A_74 {strides = array<i32>} : memref<16x128xf32, #tpu.memory_space<vmem>>, vector<1x16xf32>,
      %scan3A_75 = arith.constant 0 : i32
      scf.yield %scan3A_75 : i32
    }
    %scan3A_7 = arith.constant 128 : i32
    %mul3A_8 = arith.constant 632 : i32
    %mul3A_9 = arith.muli %arg1, %mul3A_8 : i32
    %scan3A_10 = arith.constant 0 : i32
    %scan3A_11 = arith.constant 0 : i32
    %scan3A_12 = arith.constant 39 : i32
    %scan3A_13 = arith.addi %scan3A_11, %scan3A_12 : i32
    %scan3A_14 = arith.constant 1 : i32
    %scan3A_15 = scf.for %scan3A_34 = %scan3A_11 to %scan3A_13 step %scan3A_14 iter_args(%scan3A_35 = %scan3A_10) -> (i32)  : i32 {
      %mul3A_36 = arith.constant 16 : i32
      %mul3A_37 = arith.muli %scan3A_34, %mul3A_36 : i32
      %add3A_38 = arith.addi %mul3A_9, %mul3A_37 : i32
      "tpu.region"() ({
        %run_scoped3A = tpu.sem_alloc : memref<!tpu.dma_semaphore, #tpu.memory_space<semaphore_mem>>
        %dma_start3A = arith.constant 0 : i32
        %dma_start3A_40 = tpu.memref_slice %arg14[%add3A_38, %dma_start3A] : memref<10112x128xf32, #tpu.memory_space<vmem_shared>> -> memref<16x128xf32, #tpu.memory_space<vmem_shared>>
        %dma_start3A_41 = arith.constant 0 : i32
        %dma_start3A_42 = tpu.memref_slice %arg14[%add3A_38, %dma_start3A_41] : memref<10112x128xf32, #tpu.memory_space<vmem_shared>> -> memref<16x128xf32, #tpu.memory_space<vmem_shared>>
        tpu.enqueue_dma source(%arg10 : memref<16x128xf32, #tpu.memory_space<vmem>>) target(%dma_start3A_42 : memref<16x128xf32, #tpu.memory_space<vmem_shared>>) target_semaphore(%run_scoped3A : memref<!tpu.dma_semaphore, #tpu.memory_space<semaphore_mem>>)
        %dma_wait3A = arith.constant 0 : i32
        %dma_wait3A_43 = tpu.memref_slice %arg14[%add3A_38, %dma_wait3A] : memref<10112x128xf32, #tpu.memory_space<vmem_shared>> -> memref<16x128xf32, #tpu.memory_space<vmem_shared>>
        %dma_wait3A_44 = arith.constant 0 : i32
        %dma_wait3A_45 = tpu.memref_slice %arg14[%add3A_38, %dma_wait3A_44] : memref<10112x128xf32, #tpu.memory_space<vmem_shared>> -> memref<16x128xf32, #tpu.memory_space<vmem_shared>>
        tpu.wait_dma2 semaphore(%run_scoped3A : memref<!tpu.dma_semaphore, #tpu.memory_space<semaphore_mem>>) src(%arg10 : memref<16x128xf32, #tpu.memory_space<vmem>>) dst(%dma_wait3A_45 : memref<16x128xf32, #tpu.memory_space<vmem_shared>>)
        tpu.yield
      }) : () -> ()
      %scan3A_39 = arith.constant 0 : i32
      scf.yield %scan3A_39 : i32
    }
    %scan3A_16 = arith.constant 39 : i32
    "tpu.region"() ({
      %run_scoped3A = tpu.sem_alloc : memref<!tpu.dma_semaphore, #tpu.memory_space<semaphore_mem>>
      %dma_start3A = arith.constant 0 : i32
      %dma_start3A_34 = arith.constant 0 : i32
      %dma_start3A_35 = tpu.memref_slice %arg13[%dma_start3A, %dma_start3A_34] : memref<8x128xf32, #tpu.memory_space<vmem_shared>> -> memref<16x128xf32, #tpu.memory_space<vmem_shared>>
      %dma_start3A_36 = arith.constant 0 : i32
      %dma_start3A_37 = arith.constant 0 : i32
      %dma_start3A_38 = tpu.memref_slice %arg13[%dma_start3A_36, %dma_start3A_37] : memref<8x128xf32, #tpu.memory_space<vmem_shared>> -> memref<16x128xf32, #tpu.memory_space<vmem_shared>>
      tpu.enqueue_dma source(%arg10 : memref<16x128xf32, #tpu.memory_space<vmem>>) target(%dma_start3A_38 : memref<16x128xf32, #tpu.memory_space<vmem_shared>>) target_semaphore(%run_scoped3A : memref<!tpu.dma_semaphore, #tpu.memory_space<semaphore_mem>>)
      %dma_wait3A = arith.constant 0 : i32
      %dma_wait3A_39 = arith.constant 0 : i32
      %dma_wait3A_40 = tpu.memref_slice %arg13[%dma_wait3A, %dma_wait3A_39] : memref<8x128xf32, #tpu.memory_space<vmem_shared>> -> memref<16x128xf32, #tpu.memory_space<vmem_shared>>
      %dma_wait3A_41 = arith.constant 0 : i32
      %dma_wait3A_42 = arith.constant 0 : i32
      %dma_wait3A_43 = tpu.memref_slice %arg13[%dma_wait3A_41, %dma_wait3A_42] : memref<8x128xf32, #tpu.memory_space<vmem_shared>> -> memref<16x128xf32, #tpu.memory_space<vmem_shared>>
      tpu.wait_dma2 semaphore(%run_scoped3A : memref<!tpu.dma_semaphore, #tpu.memory_space<semaphore_mem>>) src(%arg10 : memref<16x128xf32, #tpu.memory_space<vmem>>) dst(%dma_wait3A_43 : memref<16x128xf32, #tpu.memory_space<vmem_shared>>)
      tpu.yield
    }) : () -> ()
    %barrier3A = arith.constant 0 : index
    tpu.barrier barrier_id(%barrier3A)
    %lt3A = arith.constant 4 : i32
    %lt3A_17 = arith.cmpi slt, %add3A, %lt3A : i32
    %jit3A = arith.constant 1 : i32
    %jit3A_18 = arith.constant 0 : i32
    %select_n3A = arith.select %lt3A_17, %jit3A, %jit3A_18 : i32
    %add3A_19 = arith.constant 78 : i32
    %add3A_20 = arith.addi %add3A_19, %select_n3A : i32
    %while3A = arith.constant 0 : i32
    %while3A_21 = arith.constant 0 : i32
    %while3A_22 = arith.subi %add3A_20, %while3A : i32
    %while3A_23 = arith.addi %while3A, %while3A_22 : i32
    %while3A_24 = arith.constant 1 : i32
    %while3A_25 = arith.divsi %while3A_22, %while3A_24 : i32
    %while3A_26 = arith.muli %while3A_25, %while3A_24 : i32
    %while3A_27 = arith.addi %while3A, %while3A_26 : i32
    %while3A_28 = arith.constant 1 : i32
    %while3A_29 = scf.for %while3A_34 = %while3A to %while3A_27 step %while3A_28 iter_args(%while3A_35 = %while3A_21) -> (i32)  : i32 {
      %mul3A_36 = arith.constant 32 : i32
      %mul3A_37 = arith.muli %while3A_34, %mul3A_36 : i32
      %add3A_38 = arith.addi %add3A, %mul3A_37 : i32
      %mul3A_39 = arith.constant 128 : i32
      %mul3A_40 = arith.muli %add3A_38, %mul3A_39 : i32
      %multiple_of3A = tpu.assume_multiple %mul3A_40, 128 : i32
      "tpu.region"() ({
        %run_scoped3A = tpu.sem_alloc : memref<!tpu.dma_semaphore, #tpu.memory_space<semaphore_mem>>
        %dma_start3A_46 = tpu.memref_slice %arg3[%multiple_of3A] : memref<320000xi32, #tpu.memory_space<hbm>> -> memref<128xi32, #tpu.memory_space<hbm>>
        %dma_start3A_47 = tpu.memref_slice %arg3[%multiple_of3A] : memref<320000xi32, #tpu.memory_space<hbm>> -> memref<128xi32, #tpu.memory_space<hbm>>
        tpu.enqueue_dma source(%dma_start3A_47 : memref<128xi32, #tpu.memory_space<hbm>>) target(%arg7 : memref<128xi32, #tpu.memory_space<vmem>>) target_semaphore(%run_scoped3A : memref<!tpu.dma_semaphore, #tpu.memory_space<semaphore_mem>>)
        %dma_wait3A_48 = tpu.memref_slice %arg3[%multiple_of3A] : memref<320000xi32, #tpu.memory_space<hbm>> -> memref<128xi32, #tpu.memory_space<hbm>>
        %dma_wait3A_49 = tpu.memref_slice %arg3[%multiple_of3A] : memref<320000xi32, #tpu.memory_space<hbm>> -> memref<128xi32, #tpu.memory_space<hbm>>
        tpu.wait_dma2 semaphore(%run_scoped3A : memref<!tpu.dma_semaphore, #tpu.memory_space<semaphore_mem>>) src(%dma_wait3A_49 : memref<128xi32, #tpu.memory_space<hbm>>) dst(%arg7 : memref<128xi32, #tpu.memory_space<vmem>>)
        tpu.yield
      }) : () -> ()
      "tpu.region"() ({
        %run_scoped3A = tpu.sem_alloc : memref<!tpu.dma_semaphore, #tpu.memory_space<semaphore_mem>>
        %dma_start3A_46 = tpu.memref_slice %arg4[%multiple_of3A] : memref<320000xi32, #tpu.memory_space<hbm>> -> memref<128xi32, #tpu.memory_space<hbm>>
        %dma_start3A_47 = tpu.memref_slice %arg4[%multiple_of3A] : memref<320000xi32, #tpu.memory_space<hbm>> -> memref<128xi32, #tpu.memory_space<hbm>>
        tpu.enqueue_dma source(%dma_start3A_47 : memref<128xi32, #tpu.memory_space<hbm>>) target(%arg8 : memref<128xi32, #tpu.memory_space<vmem>>) target_semaphore(%run_scoped3A : memref<!tpu.dma_semaphore, #tpu.memory_space<semaphore_mem>>)
        %dma_wait3A_48 = tpu.memref_slice %arg4[%multiple_of3A] : memref<320000xi32, #tpu.memory_space<hbm>> -> memref<128xi32, #tpu.memory_space<hbm>>
        %dma_wait3A_49 = tpu.memref_slice %arg4[%multiple_of3A] : memref<320000xi32, #tpu.memory_space<hbm>> -> memref<128xi32, #tpu.memory_space<hbm>>
        tpu.wait_dma2 semaphore(%run_scoped3A : memref<!tpu.dma_semaphore, #tpu.memory_space<semaphore_mem>>) src(%dma_wait3A_49 : memref<128xi32, #tpu.memory_space<hbm>>) dst(%arg8 : memref<128xi32, #tpu.memory_space<vmem>>)
        tpu.yield
      }) : () -> ()
      %dma_start3A = arith.constant 0 : i32
      %dma_start3A_41 = arith.constant 0 : i32
      %dma_start3A_42 = tpu.memref_slice %arg2[%dma_start3A, %dma_start3A_41] : memref<10112x128xf32, #tpu.memory_space<hbm>> -> memref<10112x128xf32, #tpu.memory_space<hbm>>
      tpu.enqueue_indirect_dma source(%dma_start3A_42 : memref<10112x128xf32, #tpu.memory_space<hbm>>) target(%arg9 : memref<128x128xf32, #tpu.memory_space<vmem>>) offsets(%arg7 : memref<128xi32, #tpu.memory_space<vmem>>) semaphore(%arg15 : memref<!tpu.dma_semaphore, #tpu.memory_space<semaphore_mem>>)
      %dma_wait3A = arith.constant 0 : i32
      %dma_wait3A_43 = arith.constant 0 : i32
      %dma_wait3A_44 = tpu.memref_slice %arg2[%dma_wait3A, %dma_wait3A_43] : memref<10112x128xf32, #tpu.memory_space<hbm>> -> memref<10112x128xf32, #tpu.memory_space<hbm>>
      tpu.wait_indirect_dma semaphore(%arg15 : memref<!tpu.dma_semaphore, #tpu.memory_space<semaphore_mem>>) src(%dma_wait3A_44 : memref<10112x128xf32, #tpu.memory_space<hbm>>) dst(%arg9 : memref<128x128xf32, #tpu.memory_space<vmem>>)
      "tpu.region"() ({
        %run_scoped3A = tpu.sem_alloc : memref<!tpu.dma_semaphore, #tpu.memory_space<semaphore_mem>>
        %dma_start3A_46 = arith.constant 0 : i32
        %dma_start3A_47 = arith.constant 0 : i32
        %dma_start3A_48 = tpu.memref_slice %arg14[%dma_start3A_46, %dma_start3A_47] : memref<10112x128xf32, #tpu.memory_space<vmem_shared>> -> memref<10112x128xf32, #tpu.memory_space<vmem_shared>>
        tpu.enqueue_indirect_dma source(%arg9 : memref<128x128xf32, #tpu.memory_space<vmem>>) target(%dma_start3A_48 : memref<10112x128xf32, #tpu.memory_space<vmem_shared>>) offsets(%arg8 : memref<128xi32, #tpu.memory_space<vmem>>) semaphore(%run_scoped3A : memref<!tpu.dma_semaphore, #tpu.memory_space<semaphore_mem>>) {add = true}
        %dma_wait3A_49 = arith.constant 0 : i32
        %dma_wait3A_50 = arith.constant 0 : i32
        %dma_wait3A_51 = tpu.memref_slice %arg14[%dma_wait3A_49, %dma_wait3A_50] : memref<10112x128xf32, #tpu.memory_space<vmem_shared>> -> memref<10112x128xf32, #tpu.memory_space<vmem_shared>>
        tpu.wait_indirect_dma semaphore(%run_scoped3A : memref<!tpu.dma_semaphore, #tpu.memory_space<semaphore_mem>>) src(%arg9 : memref<128x128xf32, #tpu.memory_space<vmem>>) dst(%dma_wait3A_51 : memref<10112x128xf32, #tpu.memory_space<vmem_shared>>)
        tpu.yield
      }) : () -> ()
      %while3A_45 = arith.constant 0 : i32
      scf.yield %while3A_45 : i32
    }
    %while3A_30 = arith.constant 1 : i32
    %while3A_31 = scf.for %while3A_34 = %while3A_27 to %while3A_23 step %while3A_30 iter_args(%while3A_35 = %while3A_29) -> (i32)  : i32 {
      %mul3A_36 = arith.constant 32 : i32
      %mul3A_37 = arith.muli %while3A_34, %mul3A_36 : i32
      %add3A_38 = arith.addi %add3A, %mul3A_37 : i32
      %mul3A_39 = arith.constant 128 : i32
      %mul3A_40 = arith.muli %add3A_38, %mul3A_39 : i32
      %multiple_of3A = tpu.assume_multiple %mul3A_40, 128 : i32
      "tpu.region"() ({
        %run_scoped3A = tpu.sem_alloc : memref<!tpu.dma_semaphore, #tpu.memory_space<semaphore_mem>>
        %dma_start3A_46 = tpu.memref_slice %arg3[%multiple_of3A] : memref<320000xi32, #tpu.memory_space<hbm>> -> memref<128xi32, #tpu.memory_space<hbm>>
        %dma_start3A_47 = tpu.memref_slice %arg3[%multiple_of3A] : memref<320000xi32, #tpu.memory_space<hbm>> -> memref<128xi32, #tpu.memory_space<hbm>>
        tpu.enqueue_dma source(%dma_start3A_47 : memref<128xi32, #tpu.memory_space<hbm>>) target(%arg7 : memref<128xi32, #tpu.memory_space<vmem>>) target_semaphore(%run_scoped3A : memref<!tpu.dma_semaphore, #tpu.memory_space<semaphore_mem>>)
        %dma_wait3A_48 = tpu.memref_slice %arg3[%multiple_of3A] : memref<320000xi32, #tpu.memory_space<hbm>> -> memref<128xi32, #tpu.memory_space<hbm>>
        %dma_wait3A_49 = tpu.memref_slice %arg3[%multiple_of3A] : memref<320000xi32, #tpu.memory_space<hbm>> -> memref<128xi32, #tpu.memory_space<hbm>>
        tpu.wait_dma2 semaphore(%run_scoped3A : memref<!tpu.dma_semaphore, #tpu.memory_space<semaphore_mem>>) src(%dma_wait3A_49 : memref<128xi32, #tpu.memory_space<hbm>>) dst(%arg7 : memref<128xi32, #tpu.memory_space<vmem>>)
        tpu.yield
      }) : () -> ()
      "tpu.region"() ({
        %run_scoped3A = tpu.sem_alloc : memref<!tpu.dma_semaphore, #tpu.memory_space<semaphore_mem>>
        %dma_start3A_46 = tpu.memref_slice %arg4[%multiple_of3A] : memref<320000xi32, #tpu.memory_space<hbm>> -> memref<128xi32, #tpu.memory_space<hbm>>
        %dma_start3A_47 = tpu.memref_slice %arg4[%multiple_of3A] : memref<320000xi32, #tpu.memory_space<hbm>> -> memref<128xi32, #tpu.memory_space<hbm>>
        tpu.enqueue_dma source(%dma_start3A_47 : memref<128xi32, #tpu.memory_space<hbm>>) target(%arg8 : memref<128xi32, #tpu.memory_space<vmem>>) target_semaphore(%run_scoped3A : memref<!tpu.dma_semaphore, #tpu.memory_space<semaphore_mem>>)
        %dma_wait3A_48 = tpu.memref_slice %arg4[%multiple_of3A] : memref<320000xi32, #tpu.memory_space<hbm>> -> memref<128xi32, #tpu.memory_space<hbm>>
        %dma_wait3A_49 = tpu.memref_slice %arg4[%multiple_of3A] : memref<320000xi32, #tpu.memory_space<hbm>> -> memref<128xi32, #tpu.memory_space<hbm>>
        tpu.wait_dma2 semaphore(%run_scoped3A : memref<!tpu.dma_semaphore, #tpu.memory_space<semaphore_mem>>) src(%dma_wait3A_49 : memref<128xi32, #tpu.memory_space<hbm>>) dst(%arg8 : memref<128xi32, #tpu.memory_space<vmem>>)
        tpu.yield
      }) : () -> ()
      %dma_start3A = arith.constant 0 : i32
      %dma_start3A_41 = arith.constant 0 : i32
      %dma_start3A_42 = tpu.memref_slice %arg2[%dma_start3A, %dma_start3A_41] : memref<10112x128xf32, #tpu.memory_space<hbm>> -> memref<10112x128xf32, #tpu.memory_space<hbm>>
      tpu.enqueue_indirect_dma source(%dma_start3A_42 : memref<10112x128xf32, #tpu.memory_space<hbm>>) target(%arg9 : memref<128x128xf32, #tpu.memory_space<vmem>>) offsets(%arg7 : memref<128xi32, #tpu.memory_space<vmem>>) semaphore(%arg15 : memref<!tpu.dma_semaphore, #tpu.memory_space<semaphore_mem>>)
      %dma_wait3A = arith.constant 0 : i32
      %dma_wait3A_43 = arith.constant 0 : i32
      %dma_wait3A_44 = tpu.memref_slice %arg2[%dma_wait3A, %dma_wait3A_43] : memref<10112x128xf32, #tpu.memory_space<hbm>> -> memref<10112x128xf32, #tpu.memory_space<hbm>>
      tpu.wait_indirect_dma semaphore(%arg15 : memref<!tpu.dma_semaphore, #tpu.memory_space<semaphore_mem>>) src(%dma_wait3A_44 : memref<10112x128xf32, #tpu.memory_space<hbm>>) dst(%arg9 : memref<128x128xf32, #tpu.memory_space<vmem>>)
      "tpu.region"() ({
        %run_scoped3A = tpu.sem_alloc : memref<!tpu.dma_semaphore, #tpu.memory_space<semaphore_mem>>
        %dma_start3A_46 = arith.constant 0 : i32
        %dma_start3A_47 = arith.constant 0 : i32
        %dma_start3A_48 = tpu.memref_slice %arg14[%dma_start3A_46, %dma_start3A_47] : memref<10112x128xf32, #tpu.memory_space<vmem_shared>> -> memref<10112x128xf32, #tpu.memory_space<vmem_shared>>
        tpu.enqueue_indirect_dma source(%arg9 : memref<128x128xf32, #tpu.memory_space<vmem>>) target(%dma_start3A_48 : memref<10112x128xf32, #tpu.memory_space<vmem_shared>>) offsets(%arg8 : memref<128xi32, #tpu.memory_space<vmem>>) semaphore(%run_scoped3A : memref<!tpu.dma_semaphore, #tpu.memory_space<semaphore_mem>>) {add = true}
        %dma_wait3A_49 = arith.constant 0 : i32
        %dma_wait3A_50 = arith.constant 0 : i32
        %dma_wait3A_51 = tpu.memref_slice %arg14[%dma_wait3A_49, %dma_wait3A_50] : memref<10112x128xf32, #tpu.memory_space<vmem_shared>> -> memref<10112x128xf32, #tpu.memory_space<vmem_shared>>
        tpu.wait_indirect_dma semaphore(%run_scoped3A : memref<!tpu.dma_semaphore, #tpu.memory_space<semaphore_mem>>) src(%arg9 : memref<128x128xf32, #tpu.memory_space<vmem>>) dst(%dma_wait3A_51 : memref<10112x128xf32, #tpu.memory_space<vmem_shared>>)
        tpu.yield
      }) : () -> ()
      %while3A_45 = arith.constant 0 : i32
      scf.yield %while3A_45 : i32
    }
    %barrier3A_32 = arith.constant 0 : index
    tpu.barrier barrier_id(%barrier3A_32)
    "tpu.region"() ({
      %run_scoped3A = tpu.sem_alloc : memref<!tpu.dma_semaphore, #tpu.memory_space<semaphore_mem>>
      %dma_start3A = arith.constant 0 : i32
      %dma_start3A_34 = arith.constant 0 : i32
      %dma_start3A_35 = tpu.memref_slice %arg14[%dma_start3A, %dma_start3A_34] : memref<10112x128xf32, #tpu.memory_space<vmem_shared>> -> memref<10112x128xf32, #tpu.memory_space<vmem_shared>>
      tpu.enqueue_indirect_dma source(%arg10 : memref<16x128xf32, #tpu.memory_space<vmem>>) target(%dma_start3A_35 : memref<10112x128xf32, #tpu.memory_space<vmem_shared>>) offsets(%arg12 : memref<16xi32, #tpu.memory_space<vmem>>) semaphore(%run_scoped3A : memref<!tpu.dma_semaphore, #tpu.memory_space<semaphore_mem>>) {add = true}
      %dma_wait3A = arith.constant 0 : i32
      %dma_wait3A_36 = arith.constant 0 : i32
      %dma_wait3A_37 = tpu.memref_slice %arg14[%dma_wait3A, %dma_wait3A_36] : memref<10112x128xf32, #tpu.memory_space<vmem_shared>> -> memref<10112x128xf32, #tpu.memory_space<vmem_shared>>
      tpu.wait_indirect_dma semaphore(%run_scoped3A : memref<!tpu.dma_semaphore, #tpu.memory_space<semaphore_mem>>) src(%arg10 : memref<16x128xf32, #tpu.memory_space<vmem>>) dst(%dma_wait3A_37 : memref<10112x128xf32, #tpu.memory_space<vmem_shared>>)
      tpu.yield
    }) : () -> ()
    %barrier3A_33 = arith.constant 0 : index
    tpu.barrier barrier_id(%barrier3A_33)
    "tpu.region"() ({
      %run_scoped3A = tpu.sem_alloc : memref<!tpu.dma_semaphore, #tpu.memory_space<semaphore_mem>>
      %dma_start3A = arith.constant 0 : i32
      %dma_start3A_34 = tpu.memref_slice %arg6[%arg0, %mul3A_9, %dma_start3A] : memref<2x10112x128xf32, #tpu.memory_space<hbm>> -> memref<1x632x128xf32, #tpu.memory_space<hbm>>
      %dma_start3A_35 = tpu.memref_squeeze %dma_start3A_34 : memref<1x632x128xf32, #tpu.memory_space<hbm>> -> memref<632x128xf32, #tpu.memory_space<hbm>>
      %dma_start3A_36 = arith.constant 0 : i32
      %dma_start3A_37 = tpu.memref_slice %arg14[%mul3A_9, %dma_start3A_36] : memref<10112x128xf32, #tpu.memory_space<vmem_shared>> -> memref<632x128xf32, #tpu.memory_space<vmem_shared>>
      tpu.enqueue_dma source(%dma_start3A_37 : memref<632x128xf32, #tpu.memory_space<vmem_shared>>) target(%dma_start3A_35 : memref<632x128xf32, #tpu.memory_space<hbm>>) target_semaphore(%run_scoped3A : memref<!tpu.dma_semaphore, #tpu.memory_space<semaphore_mem>>)
      %dma_wait3A = arith.constant 0 : i32
      %dma_wait3A_38 = tpu.memref_slice %arg6[%arg0, %mul3A_9, %dma_wait3A] : memref<2x10112x128xf32, #tpu.memory_space<hbm>> -> memref<1x632x128xf32, #tpu.memory_space<hbm>>
      %dma_wait3A_39 = tpu.memref_squeeze %dma_wait3A_38 : memref<1x632x128xf32, #tpu.memory_space<hbm>> -> memref<632x128xf32, #tpu.memory_space<hbm>>
      %dma_wait3A_40 = arith.constant 0 : i32
      %dma_wait3A_41 = tpu.memref_slice %arg14[%mul3A_9, %dma_wait3A_40] : memref<10112x128xf32, #tpu.memory_space<vmem_shared>> -> memref<632x128xf32, #tpu.memory_space<vmem_shared>>
      tpu.wait_dma2 semaphore(%run_scoped3A : memref<!tpu.dma_semaphore, #tpu.memory_space<semaphore_mem>>) src(%dma_wait3A_41 : memref<632x128xf32, #tpu.memory_space<vmem_shared>>) dst(%dma_wait3A_39 : memref<632x128xf32, #tpu.memory_space<hbm>>)
      tpu.yield
    }) : () -> ()
    return
  }
}

#map = affine_map<(d0, d1) -> (0, 0)>
#map1 = affine_map<(d0, d1) -> (0)>
#map2 = affine_map<(d0, d1) -> (0, 0, 0)>
module attributes {stable_mosaic.version = 14 : i64} {
  func.func @k(%arg0: i32, %arg1: i32, %arg2: memref<10112x128xf32, #tpu.memory_space<hbm>>, %arg3: memref<320000xi32, #tpu.memory_space<hbm>>, %arg4: memref<320000xi32, #tpu.memory_space<hbm>>, %arg5: memref<8x128xf32, #tpu.memory_space<hbm>>, %arg6: memref<2x10112x128xf32, #tpu.memory_space<hbm>>, %arg7: memref<128xi32, #tpu.memory_space<vmem>>, %arg8: memref<128xi32, #tpu.memory_space<vmem>>, %arg9: memref<128x128xf32, #tpu.memory_space<vmem>>, %arg10: memref<16x128xf32, #tpu.memory_space<vmem>>, %arg11: memref<8x128xf32, #tpu.memory_space<vmem>>, %arg12: memref<16xi32, #tpu.memory_space<vmem>>, %arg13: memref<776x128xf32, #tpu.memory_space<vmem_shared>>, %arg14: memref<10112x128xf32, #tpu.memory_space<vmem_shared>>, %arg15: memref<!tpu.dma_semaphore, #tpu.memory_space<semaphore_mem>>) attributes {dimension_semantics = [#tpu.dimension_semantics<core_parallel>, #tpu.dimension_semantics<subcore_parallel>], iteration_bounds = array<i64: 2, 16>, scalar_prefetch = 0 : i64, scratch_operands = 9 : i64, tpu.core_type = #tpu.core_type<sc_vector_subcore>, window_params = [{transform_indices = #map}, {transform_indices = #map1}, {transform_indices = #map1}, {transform_indices = #map}, {transform_indices = #map2}]} {
    %mul3A = arith.constant 2 : i32
    %mul3A_0 = arith.muli %arg1, %mul3A : i32
    %add3A = arith.addi %mul3A_0, %arg0 : i32
    "tpu.region"() ({
      %run_scoped3A = tpu.sem_alloc : memref<!tpu.dma_semaphore, #tpu.memory_space<semaphore_mem>>
      tpu.enqueue_dma source(%arg5 : memref<8x128xf32, #tpu.memory_space<hbm>>) target(%arg11 : memref<8x128xf32, #tpu.memory_space<vmem>>) target_semaphore(%run_scoped3A : memref<!tpu.dma_semaphore, #tpu.memory_space<semaphore_mem>>)
      tpu.wait_dma2 semaphore(%run_scoped3A : memref<!tpu.dma_semaphore, #tpu.memory_space<semaphore_mem>>) src(%arg5 : memref<8x128xf32, #tpu.memory_space<hbm>>) dst(%arg11 : memref<8x128xf32, #tpu.memory_space<vmem>>)
      tpu.yield
    }) : () -> ()
    "tpu.region"() ({
      %run_scoped3A = tpu.sem_alloc : memref<!tpu.dma_semaphore, #tpu.memory_space<semaphore_mem>>
      %dma_start3A = arith.constant 0 : i32
      %dma_start3A_34 = tpu.memref_slice %arg3[%dma_start3A] : memref<320000xi32, #tpu.memory_space<hbm>> -> memref<16xi32, #tpu.memory_space<hbm>>
      %dma_start3A_35 = arith.constant 0 : i32
      %dma_start3A_36 = tpu.memref_slice %arg3[%dma_start3A_35] : memref<320000xi32, #tpu.memory_space<hbm>> -> memref<16xi32, #tpu.memory_space<hbm>>
      tpu.enqueue_dma source(%dma_start3A_36 : memref<16xi32, #tpu.memory_space<hbm>>) target(%arg12 : memref<16xi32, #tpu.memory_space<vmem>>) target_semaphore(%run_scoped3A : memref<!tpu.dma_semaphore, #tpu.memory_space<semaphore_mem>>)
      %dma_wait3A = arith.constant 0 : i32
      %dma_wait3A_37 = tpu.memref_slice %arg3[%dma_wait3A] : memref<320000xi32, #tpu.memory_space<hbm>> -> memref<16xi32, #tpu.memory_space<hbm>>
      %dma_wait3A_38 = arith.constant 0 : i32
      %dma_wait3A_39 = tpu.memref_slice %arg3[%dma_wait3A_38] : memref<320000xi32, #tpu.memory_space<hbm>> -> memref<16xi32, #tpu.memory_space<hbm>>
      tpu.wait_dma2 semaphore(%run_scoped3A : memref<!tpu.dma_semaphore, #tpu.memory_space<semaphore_mem>>) src(%dma_wait3A_39 : memref<16xi32, #tpu.memory_space<hbm>>) dst(%arg12 : memref<16xi32, #tpu.memory_space<vmem>>)
      tpu.yield
    }) : () -> ()
    %broadcast_in_dim3A = arith.constant 0.000000e+00 : f32
    %broadcast_in_dim3A_1 = vector.broadcast %broadcast_in_dim3A : f32 to vector<16xf32>
    %scan3A = arith.constant 0 : i32
    %scan3A_2 = arith.constant 0 : i32
    %scan3A_3 = arith.constant 128 : i32
    %scan3A_4 = arith.addi %scan3A_2, %scan3A_3 : i32
    %scan3A_5 = arith.constant 1 : i32
    %scan3A_6 = scf.for %scan3A_34 = %scan3A_2 to %scan3A_4 step %scan3A_5 iter_args(%scan3A_35 = %scan3A) -> (i32)  : i32 {
      %jit3A_36 = arith.constant 8 : i32
      %div3A = arith.divsi %scan3A_34, %jit3A_36 : i32
      %sign3A = arith.constant 0 : i32
      %sign3A_37 = arith.cmpi sgt, %scan3A_34, %sign3A : i32
      %sign3A_38 = arith.extui %sign3A_37 : i1 to i32
      %sign3A_39 = arith.constant 0 : i32
      %sign3A_40 = arith.cmpi slt, %scan3A_34, %sign3A_39 : i32
      %sign3A_41 = arith.extui %sign3A_40 : i1 to i32
      %sign3A_42 = arith.subi %sign3A_38, %sign3A_41 : i32
      %sign3A_43 = arith.constant 0 : i32
      %sign3A_44 = arith.cmpi sgt, %jit3A_36, %sign3A_43 : i32
      %sign3A_45 = arith.extui %sign3A_44 : i1 to i32
      %sign3A_46 = arith.constant 0 : i32
      %sign3A_47 = arith.cmpi slt, %jit3A_36, %sign3A_46 : i32
      %sign3A_48 = arith.extui %sign3A_47 : i1 to i32
      %sign3A_49 = arith.subi %sign3A_45, %sign3A_48 : i32
      %ne3A = arith.cmpi ne, %sign3A_42, %sign3A_49 : i32
      %rem3A = arith.remsi %scan3A_34, %jit3A_36 : i32
      %ne3A_50 = arith.constant 0 : i32
      %ne3A_51 = arith.cmpi ne, %rem3A, %ne3A_50 : i32
      %and3A = arith.andi %ne3A, %ne3A_51 : i1
      %sub3A = arith.constant 1 : i32
      %sub3A_52 = arith.subi %div3A, %sub3A : i32
      %select_n3A_53 = arith.select %and3A, %sub3A_52, %div3A : i32
      %jit3A_54 = arith.constant 8 : i32
      %eq3A = arith.constant 0 : i32
      %eq3A_55 = arith.cmpi eq, %jit3A_54, %eq3A : i32
      %jit3A_56 = arith.constant 1 : i32
      %select_n3A_57 = arith.select %eq3A_55, %jit3A_56, %jit3A_54 : i32
      %rem3A_58 = arith.remsi %scan3A_34, %select_n3A_57 : i32
      %ne3A_59 = arith.constant 0 : i32
      %ne3A_60 = arith.cmpi ne, %rem3A_58, %ne3A_59 : i32
      %lt3A_61 = arith.constant 0 : i32
      %lt3A_62 = arith.cmpi slt, %rem3A_58, %lt3A_61 : i32
      %lt3A_63 = arith.constant 0 : i32
      %lt3A_64 = arith.cmpi slt, %select_n3A_57, %lt3A_63 : i32
      %ne3A_65 = arith.xori %lt3A_62, %lt3A_64 : i1
      %and3A_66 = arith.andi %ne3A_65, %ne3A_60 : i1
      %add3A_67 = arith.addi %rem3A_58, %select_n3A_57 : i32
      %select_n3A_68 = arith.select %and3A_66, %add3A_67, %rem3A_58 : i32
      %mul3A_69 = arith.constant 16 : i32
      %mul3A_70 = arith.muli %select_n3A_68, %mul3A_69 : i32
      %swap3A = arith.index_cast %select_n3A_53 : i32 to index
      %swap3A_71 = arith.index_cast %mul3A_70 : i32 to index
      %swap3A_72 = tpu.vector_load %arg10[%swap3A, %swap3A_71] {strides = array<i32>} : memref<16x128xf32, #tpu.memory_space<vmem>>, vector<1x16xf32>,
      %swap3A_73 = vector.shape_cast %swap3A_72 : vector<1x16xf32> to vector<16xf32>
      %swap3A_74 = vector.shape_cast %broadcast_in_dim3A_1 : vector<16xf32> to vector<1x16xf32>
      tpu.vector_store %arg10[%swap3A, %swap3A_71], %swap3A_74 {strides = array<i32>} : memref<16x128xf32, #tpu.memory_space<vmem>>, vector<1x16xf32>,
      %scan3A_75 = arith.constant 0 : i32
      scf.yield %scan3A_75 : i32
    }
    %scan3A_7 = arith.constant 128 : i32
    %mul3A_8 = arith.constant 632 : i32
    %mul3A_9 = arith.muli %arg1, %mul3A_8 : i32
    %scan3A_10 = arith.constant 0 : i32
    %scan3A_11 = arith.constant 0 : i32
    %scan3A_12 = arith.constant 39 : i32
    %scan3A_13 = arith.addi %scan3A_11, %scan3A_12 : i32
    %scan3A_14 = arith.constant 1 : i32
    %scan3A_15 = scf.for %scan3A_34 = %scan3A_11 to %scan3A_13 step %scan3A_14 iter_args(%scan3A_35 = %scan3A_10) -> (i32)  : i32 {
      %mul3A_36 = arith.constant 16 : i32
      %mul3A_37 = arith.muli %scan3A_34, %mul3A_36 : i32
      %add3A_38 = arith.addi %mul3A_9, %mul3A_37 : i32
      "tpu.region"() ({
        %run_scoped3A = tpu.sem_alloc : memref<!tpu.dma_semaphore, #tpu.memory_space<semaphore_mem>>
        %dma_start3A = arith.constant 0 : i32
        %dma_start3A_40 = tpu.memref_slice %arg14[%add3A_38, %dma_start3A] : memref<10112x128xf32, #tpu.memory_space<vmem_shared>> -> memref<16x128xf32, #tpu.memory_space<vmem_shared>>
        %dma_start3A_41 = arith.constant 0 : i32
        %dma_start3A_42 = tpu.memref_slice %arg14[%add3A_38, %dma_start3A_41] : memref<10112x128xf32, #tpu.memory_space<vmem_shared>> -> memref<16x128xf32, #tpu.memory_space<vmem_shared>>
        tpu.enqueue_dma source(%arg10 : memref<16x128xf32, #tpu.memory_space<vmem>>) target(%dma_start3A_42 : memref<16x128xf32, #tpu.memory_space<vmem_shared>>) target_semaphore(%run_scoped3A : memref<!tpu.dma_semaphore, #tpu.memory_space<semaphore_mem>>)
        %dma_wait3A = arith.constant 0 : i32
        %dma_wait3A_43 = tpu.memref_slice %arg14[%add3A_38, %dma_wait3A] : memref<10112x128xf32, #tpu.memory_space<vmem_shared>> -> memref<16x128xf32, #tpu.memory_space<vmem_shared>>
        %dma_wait3A_44 = arith.constant 0 : i32
        %dma_wait3A_45 = tpu.memref_slice %arg14[%add3A_38, %dma_wait3A_44] : memref<10112x128xf32, #tpu.memory_space<vmem_shared>> -> memref<16x128xf32, #tpu.memory_space<vmem_shared>>
        tpu.wait_dma2 semaphore(%run_scoped3A : memref<!tpu.dma_semaphore, #tpu.memory_space<semaphore_mem>>) src(%arg10 : memref<16x128xf32, #tpu.memory_space<vmem>>) dst(%dma_wait3A_45 : memref<16x128xf32, #tpu.memory_space<vmem_shared>>)
        tpu.yield
      }) : () -> ()
      %scan3A_39 = arith.constant 0 : i32
      scf.yield %scan3A_39 : i32
    }
    %scan3A_16 = arith.constant 39 : i32
    "tpu.region"() ({
      %run_scoped3A = tpu.sem_alloc : memref<!tpu.dma_semaphore, #tpu.memory_space<semaphore_mem>>
      %dma_start3A = arith.constant 0 : i32
      %dma_start3A_34 = arith.constant 0 : i32
      %dma_start3A_35 = tpu.memref_slice %arg13[%dma_start3A, %dma_start3A_34] : memref<776x128xf32, #tpu.memory_space<vmem_shared>> -> memref<16x128xf32, #tpu.memory_space<vmem_shared>>
      %dma_start3A_36 = arith.constant 0 : i32
      %dma_start3A_37 = arith.constant 0 : i32
      %dma_start3A_38 = tpu.memref_slice %arg13[%dma_start3A_36, %dma_start3A_37] : memref<776x128xf32, #tpu.memory_space<vmem_shared>> -> memref<16x128xf32, #tpu.memory_space<vmem_shared>>
      tpu.enqueue_dma source(%arg10 : memref<16x128xf32, #tpu.memory_space<vmem>>) target(%dma_start3A_38 : memref<16x128xf32, #tpu.memory_space<vmem_shared>>) target_semaphore(%run_scoped3A : memref<!tpu.dma_semaphore, #tpu.memory_space<semaphore_mem>>)
      %dma_wait3A = arith.constant 0 : i32
      %dma_wait3A_39 = arith.constant 0 : i32
      %dma_wait3A_40 = tpu.memref_slice %arg13[%dma_wait3A, %dma_wait3A_39] : memref<776x128xf32, #tpu.memory_space<vmem_shared>> -> memref<16x128xf32, #tpu.memory_space<vmem_shared>>
      %dma_wait3A_41 = arith.constant 0 : i32
      %dma_wait3A_42 = arith.constant 0 : i32
      %dma_wait3A_43 = tpu.memref_slice %arg13[%dma_wait3A_41, %dma_wait3A_42] : memref<776x128xf32, #tpu.memory_space<vmem_shared>> -> memref<16x128xf32, #tpu.memory_space<vmem_shared>>
      tpu.wait_dma2 semaphore(%run_scoped3A : memref<!tpu.dma_semaphore, #tpu.memory_space<semaphore_mem>>) src(%arg10 : memref<16x128xf32, #tpu.memory_space<vmem>>) dst(%dma_wait3A_43 : memref<16x128xf32, #tpu.memory_space<vmem_shared>>)
      tpu.yield
    }) : () -> ()
    %barrier3A = arith.constant 0 : index
    tpu.barrier barrier_id(%barrier3A)
    %lt3A = arith.constant 4 : i32
    %lt3A_17 = arith.cmpi slt, %add3A, %lt3A : i32
    %jit3A = arith.constant 1 : i32
    %jit3A_18 = arith.constant 0 : i32
    %select_n3A = arith.select %lt3A_17, %jit3A, %jit3A_18 : i32
    %add3A_19 = arith.constant 78 : i32
    %add3A_20 = arith.addi %add3A_19, %select_n3A : i32
    %while3A = arith.constant 0 : i32
    %while3A_21 = arith.constant 0 : i32
    %while3A_22 = arith.subi %add3A_20, %while3A : i32
    %while3A_23 = arith.addi %while3A, %while3A_22 : i32
    %while3A_24 = arith.constant 1 : i32
    %while3A_25 = arith.divsi %while3A_22, %while3A_24 : i32
    %while3A_26 = arith.muli %while3A_25, %while3A_24 : i32
    %while3A_27 = arith.addi %while3A, %while3A_26 : i32
    %while3A_28 = arith.constant 1 : i32
    %while3A_29 = scf.for %while3A_34 = %while3A to %while3A_27 step %while3A_28 iter_args(%while3A_35 = %while3A_21) -> (i32)  : i32 {
      %mul3A_36 = arith.constant 32 : i32
      %mul3A_37 = arith.muli %while3A_34, %mul3A_36 : i32
      %add3A_38 = arith.addi %add3A, %mul3A_37 : i32
      %mul3A_39 = arith.constant 128 : i32
      %mul3A_40 = arith.muli %add3A_38, %mul3A_39 : i32
      %multiple_of3A = tpu.assume_multiple %mul3A_40, 128 : i32
      "tpu.region"() ({
        %run_scoped3A = tpu.sem_alloc : memref<!tpu.dma_semaphore, #tpu.memory_space<semaphore_mem>>
        %dma_start3A_46 = tpu.memref_slice %arg3[%multiple_of3A] : memref<320000xi32, #tpu.memory_space<hbm>> -> memref<128xi32, #tpu.memory_space<hbm>>
        %dma_start3A_47 = tpu.memref_slice %arg3[%multiple_of3A] : memref<320000xi32, #tpu.memory_space<hbm>> -> memref<128xi32, #tpu.memory_space<hbm>>
        tpu.enqueue_dma source(%dma_start3A_47 : memref<128xi32, #tpu.memory_space<hbm>>) target(%arg7 : memref<128xi32, #tpu.memory_space<vmem>>) target_semaphore(%run_scoped3A : memref<!tpu.dma_semaphore, #tpu.memory_space<semaphore_mem>>)
        %dma_wait3A_48 = tpu.memref_slice %arg3[%multiple_of3A] : memref<320000xi32, #tpu.memory_space<hbm>> -> memref<128xi32, #tpu.memory_space<hbm>>
        %dma_wait3A_49 = tpu.memref_slice %arg3[%multiple_of3A] : memref<320000xi32, #tpu.memory_space<hbm>> -> memref<128xi32, #tpu.memory_space<hbm>>
        tpu.wait_dma2 semaphore(%run_scoped3A : memref<!tpu.dma_semaphore, #tpu.memory_space<semaphore_mem>>) src(%dma_wait3A_49 : memref<128xi32, #tpu.memory_space<hbm>>) dst(%arg7 : memref<128xi32, #tpu.memory_space<vmem>>)
        tpu.yield
      }) : () -> ()
      "tpu.region"() ({
        %run_scoped3A = tpu.sem_alloc : memref<!tpu.dma_semaphore, #tpu.memory_space<semaphore_mem>>
        %dma_start3A_46 = tpu.memref_slice %arg4[%multiple_of3A] : memref<320000xi32, #tpu.memory_space<hbm>> -> memref<128xi32, #tpu.memory_space<hbm>>
        %dma_start3A_47 = tpu.memref_slice %arg4[%multiple_of3A] : memref<320000xi32, #tpu.memory_space<hbm>> -> memref<128xi32, #tpu.memory_space<hbm>>
        tpu.enqueue_dma source(%dma_start3A_47 : memref<128xi32, #tpu.memory_space<hbm>>) target(%arg8 : memref<128xi32, #tpu.memory_space<vmem>>) target_semaphore(%run_scoped3A : memref<!tpu.dma_semaphore, #tpu.memory_space<semaphore_mem>>)
        %dma_wait3A_48 = tpu.memref_slice %arg4[%multiple_of3A] : memref<320000xi32, #tpu.memory_space<hbm>> -> memref<128xi32, #tpu.memory_space<hbm>>
        %dma_wait3A_49 = tpu.memref_slice %arg4[%multiple_of3A] : memref<320000xi32, #tpu.memory_space<hbm>> -> memref<128xi32, #tpu.memory_space<hbm>>
        tpu.wait_dma2 semaphore(%run_scoped3A : memref<!tpu.dma_semaphore, #tpu.memory_space<semaphore_mem>>) src(%dma_wait3A_49 : memref<128xi32, #tpu.memory_space<hbm>>) dst(%arg8 : memref<128xi32, #tpu.memory_space<vmem>>)
        tpu.yield
      }) : () -> ()
      %dma_start3A = arith.constant 0 : i32
      %dma_start3A_41 = arith.constant 0 : i32
      %dma_start3A_42 = tpu.memref_slice %arg2[%dma_start3A, %dma_start3A_41] : memref<10112x128xf32, #tpu.memory_space<hbm>> -> memref<10112x128xf32, #tpu.memory_space<hbm>>
      tpu.enqueue_indirect_dma source(%dma_start3A_42 : memref<10112x128xf32, #tpu.memory_space<hbm>>) target(%arg9 : memref<128x128xf32, #tpu.memory_space<vmem>>) offsets(%arg7 : memref<128xi32, #tpu.memory_space<vmem>>) semaphore(%arg15 : memref<!tpu.dma_semaphore, #tpu.memory_space<semaphore_mem>>)
      %dma_wait3A = arith.constant 0 : i32
      %dma_wait3A_43 = arith.constant 0 : i32
      %dma_wait3A_44 = tpu.memref_slice %arg2[%dma_wait3A, %dma_wait3A_43] : memref<10112x128xf32, #tpu.memory_space<hbm>> -> memref<10112x128xf32, #tpu.memory_space<hbm>>
      tpu.wait_indirect_dma semaphore(%arg15 : memref<!tpu.dma_semaphore, #tpu.memory_space<semaphore_mem>>) src(%dma_wait3A_44 : memref<10112x128xf32, #tpu.memory_space<hbm>>) dst(%arg9 : memref<128x128xf32, #tpu.memory_space<vmem>>)
      "tpu.region"() ({
        %run_scoped3A = tpu.sem_alloc : memref<!tpu.dma_semaphore, #tpu.memory_space<semaphore_mem>>
        %dma_start3A_46 = arith.constant 0 : i32
        %dma_start3A_47 = arith.constant 0 : i32
        %dma_start3A_48 = tpu.memref_slice %arg14[%dma_start3A_46, %dma_start3A_47] : memref<10112x128xf32, #tpu.memory_space<vmem_shared>> -> memref<10112x128xf32, #tpu.memory_space<vmem_shared>>
        tpu.enqueue_indirect_dma source(%arg9 : memref<128x128xf32, #tpu.memory_space<vmem>>) target(%dma_start3A_48 : memref<10112x128xf32, #tpu.memory_space<vmem_shared>>) offsets(%arg8 : memref<128xi32, #tpu.memory_space<vmem>>) semaphore(%run_scoped3A : memref<!tpu.dma_semaphore, #tpu.memory_space<semaphore_mem>>) {add = true}
        %dma_wait3A_49 = arith.constant 0 : i32
        %dma_wait3A_50 = arith.constant 0 : i32
        %dma_wait3A_51 = tpu.memref_slice %arg14[%dma_wait3A_49, %dma_wait3A_50] : memref<10112x128xf32, #tpu.memory_space<vmem_shared>> -> memref<10112x128xf32, #tpu.memory_space<vmem_shared>>
        tpu.wait_indirect_dma semaphore(%run_scoped3A : memref<!tpu.dma_semaphore, #tpu.memory_space<semaphore_mem>>) src(%arg9 : memref<128x128xf32, #tpu.memory_space<vmem>>) dst(%dma_wait3A_51 : memref<10112x128xf32, #tpu.memory_space<vmem_shared>>)
        tpu.yield
      }) : () -> ()
      %while3A_45 = arith.constant 0 : i32
      scf.yield %while3A_45 : i32
    }
    %while3A_30 = arith.constant 1 : i32
    %while3A_31 = scf.for %while3A_34 = %while3A_27 to %while3A_23 step %while3A_30 iter_args(%while3A_35 = %while3A_29) -> (i32)  : i32 {
      %mul3A_36 = arith.constant 32 : i32
      %mul3A_37 = arith.muli %while3A_34, %mul3A_36 : i32
      %add3A_38 = arith.addi %add3A, %mul3A_37 : i32
      %mul3A_39 = arith.constant 128 : i32
      %mul3A_40 = arith.muli %add3A_38, %mul3A_39 : i32
      %multiple_of3A = tpu.assume_multiple %mul3A_40, 128 : i32
      "tpu.region"() ({
        %run_scoped3A = tpu.sem_alloc : memref<!tpu.dma_semaphore, #tpu.memory_space<semaphore_mem>>
        %dma_start3A_46 = tpu.memref_slice %arg3[%multiple_of3A] : memref<320000xi32, #tpu.memory_space<hbm>> -> memref<128xi32, #tpu.memory_space<hbm>>
        %dma_start3A_47 = tpu.memref_slice %arg3[%multiple_of3A] : memref<320000xi32, #tpu.memory_space<hbm>> -> memref<128xi32, #tpu.memory_space<hbm>>
        tpu.enqueue_dma source(%dma_start3A_47 : memref<128xi32, #tpu.memory_space<hbm>>) target(%arg7 : memref<128xi32, #tpu.memory_space<vmem>>) target_semaphore(%run_scoped3A : memref<!tpu.dma_semaphore, #tpu.memory_space<semaphore_mem>>)
        %dma_wait3A_48 = tpu.memref_slice %arg3[%multiple_of3A] : memref<320000xi32, #tpu.memory_space<hbm>> -> memref<128xi32, #tpu.memory_space<hbm>>
        %dma_wait3A_49 = tpu.memref_slice %arg3[%multiple_of3A] : memref<320000xi32, #tpu.memory_space<hbm>> -> memref<128xi32, #tpu.memory_space<hbm>>
        tpu.wait_dma2 semaphore(%run_scoped3A : memref<!tpu.dma_semaphore, #tpu.memory_space<semaphore_mem>>) src(%dma_wait3A_49 : memref<128xi32, #tpu.memory_space<hbm>>) dst(%arg7 : memref<128xi32, #tpu.memory_space<vmem>>)
        tpu.yield
      }) : () -> ()
      "tpu.region"() ({
        %run_scoped3A = tpu.sem_alloc : memref<!tpu.dma_semaphore, #tpu.memory_space<semaphore_mem>>
        %dma_start3A_46 = tpu.memref_slice %arg4[%multiple_of3A] : memref<320000xi32, #tpu.memory_space<hbm>> -> memref<128xi32, #tpu.memory_space<hbm>>
        %dma_start3A_47 = tpu.memref_slice %arg4[%multiple_of3A] : memref<320000xi32, #tpu.memory_space<hbm>> -> memref<128xi32, #tpu.memory_space<hbm>>
        tpu.enqueue_dma source(%dma_start3A_47 : memref<128xi32, #tpu.memory_space<hbm>>) target(%arg8 : memref<128xi32, #tpu.memory_space<vmem>>) target_semaphore(%run_scoped3A : memref<!tpu.dma_semaphore, #tpu.memory_space<semaphore_mem>>)
        %dma_wait3A_48 = tpu.memref_slice %arg4[%multiple_of3A] : memref<320000xi32, #tpu.memory_space<hbm>> -> memref<128xi32, #tpu.memory_space<hbm>>
        %dma_wait3A_49 = tpu.memref_slice %arg4[%multiple_of3A] : memref<320000xi32, #tpu.memory_space<hbm>> -> memref<128xi32, #tpu.memory_space<hbm>>
        tpu.wait_dma2 semaphore(%run_scoped3A : memref<!tpu.dma_semaphore, #tpu.memory_space<semaphore_mem>>) src(%dma_wait3A_49 : memref<128xi32, #tpu.memory_space<hbm>>) dst(%arg8 : memref<128xi32, #tpu.memory_space<vmem>>)
        tpu.yield
      }) : () -> ()
      %dma_start3A = arith.constant 0 : i32
      %dma_start3A_41 = arith.constant 0 : i32
      %dma_start3A_42 = tpu.memref_slice %arg2[%dma_start3A, %dma_start3A_41] : memref<10112x128xf32, #tpu.memory_space<hbm>> -> memref<10112x128xf32, #tpu.memory_space<hbm>>
      tpu.enqueue_indirect_dma source(%dma_start3A_42 : memref<10112x128xf32, #tpu.memory_space<hbm>>) target(%arg9 : memref<128x128xf32, #tpu.memory_space<vmem>>) offsets(%arg7 : memref<128xi32, #tpu.memory_space<vmem>>) semaphore(%arg15 : memref<!tpu.dma_semaphore, #tpu.memory_space<semaphore_mem>>)
      %dma_wait3A = arith.constant 0 : i32
      %dma_wait3A_43 = arith.constant 0 : i32
      %dma_wait3A_44 = tpu.memref_slice %arg2[%dma_wait3A, %dma_wait3A_43] : memref<10112x128xf32, #tpu.memory_space<hbm>> -> memref<10112x128xf32, #tpu.memory_space<hbm>>
      tpu.wait_indirect_dma semaphore(%arg15 : memref<!tpu.dma_semaphore, #tpu.memory_space<semaphore_mem>>) src(%dma_wait3A_44 : memref<10112x128xf32, #tpu.memory_space<hbm>>) dst(%arg9 : memref<128x128xf32, #tpu.memory_space<vmem>>)
      "tpu.region"() ({
        %run_scoped3A = tpu.sem_alloc : memref<!tpu.dma_semaphore, #tpu.memory_space<semaphore_mem>>
        %dma_start3A_46 = arith.constant 0 : i32
        %dma_start3A_47 = arith.constant 0 : i32
        %dma_start3A_48 = tpu.memref_slice %arg14[%dma_start3A_46, %dma_start3A_47] : memref<10112x128xf32, #tpu.memory_space<vmem_shared>> -> memref<10112x128xf32, #tpu.memory_space<vmem_shared>>
        tpu.enqueue_indirect_dma source(%arg9 : memref<128x128xf32, #tpu.memory_space<vmem>>) target(%dma_start3A_48 : memref<10112x128xf32, #tpu.memory_space<vmem_shared>>) offsets(%arg8 : memref<128xi32, #tpu.memory_space<vmem>>) semaphore(%run_scoped3A : memref<!tpu.dma_semaphore, #tpu.memory_space<semaphore_mem>>) {add = true}
        %dma_wait3A_49 = arith.constant 0 : i32
        %dma_wait3A_50 = arith.constant 0 : i32
        %dma_wait3A_51 = tpu.memref_slice %arg14[%dma_wait3A_49, %dma_wait3A_50] : memref<10112x128xf32, #tpu.memory_space<vmem_shared>> -> memref<10112x128xf32, #tpu.memory_space<vmem_shared>>
        tpu.wait_indirect_dma semaphore(%run_scoped3A : memref<!tpu.dma_semaphore, #tpu.memory_space<semaphore_mem>>) src(%arg9 : memref<128x128xf32, #tpu.memory_space<vmem>>) dst(%dma_wait3A_51 : memref<10112x128xf32, #tpu.memory_space<vmem_shared>>)
        tpu.yield
      }) : () -> ()
      %while3A_45 = arith.constant 0 : i32
      scf.yield %while3A_45 : i32
    }
    %barrier3A_32 = arith.constant 0 : index
    tpu.barrier barrier_id(%barrier3A_32)
    "tpu.region"() ({
      %run_scoped3A = tpu.sem_alloc : memref<!tpu.dma_semaphore, #tpu.memory_space<semaphore_mem>>
      %dma_start3A = arith.constant 0 : i32
      %dma_start3A_34 = arith.constant 0 : i32
      %dma_start3A_35 = tpu.memref_slice %arg14[%dma_start3A, %dma_start3A_34] : memref<10112x128xf32, #tpu.memory_space<vmem_shared>> -> memref<10112x128xf32, #tpu.memory_space<vmem_shared>>
      tpu.enqueue_indirect_dma source(%arg10 : memref<16x128xf32, #tpu.memory_space<vmem>>) target(%dma_start3A_35 : memref<10112x128xf32, #tpu.memory_space<vmem_shared>>) offsets(%arg12 : memref<16xi32, #tpu.memory_space<vmem>>) semaphore(%run_scoped3A : memref<!tpu.dma_semaphore, #tpu.memory_space<semaphore_mem>>) {add = true}
      %dma_wait3A = arith.constant 0 : i32
      %dma_wait3A_36 = arith.constant 0 : i32
      %dma_wait3A_37 = tpu.memref_slice %arg14[%dma_wait3A, %dma_wait3A_36] : memref<10112x128xf32, #tpu.memory_space<vmem_shared>> -> memref<10112x128xf32, #tpu.memory_space<vmem_shared>>
      tpu.wait_indirect_dma semaphore(%run_scoped3A : memref<!tpu.dma_semaphore, #tpu.memory_space<semaphore_mem>>) src(%arg10 : memref<16x128xf32, #tpu.memory_space<vmem>>) dst(%dma_wait3A_37 : memref<10112x128xf32, #tpu.memory_space<vmem_shared>>)
      tpu.yield
    }) : () -> ()
    %barrier3A_33 = arith.constant 0 : index
    tpu.barrier barrier_id(%barrier3A_33)
    "tpu.region"() ({
      %run_scoped3A = tpu.sem_alloc : memref<!tpu.dma_semaphore, #tpu.memory_space<semaphore_mem>>
      %dma_start3A = arith.constant 0 : i32
      %dma_start3A_34 = tpu.memref_slice %arg6[%arg0, %mul3A_9, %dma_start3A] : memref<2x10112x128xf32, #tpu.memory_space<hbm>> -> memref<1x632x128xf32, #tpu.memory_space<hbm>>
      %dma_start3A_35 = tpu.memref_squeeze %dma_start3A_34 : memref<1x632x128xf32, #tpu.memory_space<hbm>> -> memref<632x128xf32, #tpu.memory_space<hbm>>
      %dma_start3A_36 = arith.constant 0 : i32
      %dma_start3A_37 = tpu.memref_slice %arg14[%mul3A_9, %dma_start3A_36] : memref<10112x128xf32, #tpu.memory_space<vmem_shared>> -> memref<632x128xf32, #tpu.memory_space<vmem_shared>>
      tpu.enqueue_dma source(%dma_start3A_37 : memref<632x128xf32, #tpu.memory_space<vmem_shared>>) target(%dma_start3A_35 : memref<632x128xf32, #tpu.memory_space<hbm>>) target_semaphore(%run_scoped3A : memref<!tpu.dma_semaphore, #tpu.memory_space<semaphore_mem>>)
      %dma_wait3A = arith.constant 0 : i32
      %dma_wait3A_38 = tpu.memref_slice %arg6[%arg0, %mul3A_9, %dma_wait3A] : memref<2x10112x128xf32, #tpu.memory_space<hbm>> -> memref<1x632x128xf32, #tpu.memory_space<hbm>>
      %dma_wait3A_39 = tpu.memref_squeeze %dma_wait3A_38 : memref<1x632x128xf32, #tpu.memory_space<hbm>> -> memref<632x128xf32, #tpu.memory_space<hbm>>
      %dma_wait3A_40 = arith.constant 0 : i32
      %dma_wait3A_41 = tpu.memref_slice %arg14[%mul3A_9, %dma_wait3A_40] : memref<10112x128xf32, #tpu.memory_space<vmem_shared>> -> memref<632x128xf32, #tpu.memory_space<vmem_shared>>
      tpu.wait_dma2 semaphore(%run_scoped3A : memref<!tpu.dma_semaphore, #tpu.memory_space<semaphore_mem>>) src(%dma_wait3A_41 : memref<632x128xf32, #tpu.memory_space<vmem_shared>>) dst(%dma_wait3A_39 : memref<632x128xf32, #tpu.memory_space<hbm>>)
      tpu.yield
    }) : () -> ()
    return
  }
}

#map = affine_map<(d0, d1) -> (0, 0)>
#map1 = affine_map<(d0, d1) -> (0)>
#map2 = affine_map<(d0, d1) -> (0, 0, 0)>
module attributes {stable_mosaic.version = 14 : i64} {
  func.func @k(%arg0: i32, %arg1: i32, %arg2: memref<10112x128xf32, #tpu.memory_space<hbm>>, %arg3: memref<320000xi32, #tpu.memory_space<hbm>>, %arg4: memref<320000xi32, #tpu.memory_space<hbm>>, %arg5: memref<8x128xf32, #tpu.memory_space<hbm>>, %arg6: memref<2x10112x128xf32, #tpu.memory_space<hbm>>, %arg7: memref<128xi32, #tpu.memory_space<vmem>>, %arg8: memref<128xi32, #tpu.memory_space<vmem>>, %arg9: memref<128x128xf32, #tpu.memory_space<vmem>>, %arg10: memref<16x128xf32, #tpu.memory_space<vmem>>, %arg11: memref<8x128xf32, #tpu.memory_space<vmem>>, %arg12: memref<16xi32, #tpu.memory_space<vmem>>, %arg13: memref<520x128xf32, #tpu.memory_space<vmem_shared>>, %arg14: memref<10112x128xf32, #tpu.memory_space<vmem_shared>>, %arg15: memref<!tpu.dma_semaphore, #tpu.memory_space<semaphore_mem>>) attributes {dimension_semantics = [#tpu.dimension_semantics<core_parallel>, #tpu.dimension_semantics<subcore_parallel>], iteration_bounds = array<i64: 2, 16>, scalar_prefetch = 0 : i64, scratch_operands = 9 : i64, tpu.core_type = #tpu.core_type<sc_vector_subcore>, window_params = [{transform_indices = #map}, {transform_indices = #map1}, {transform_indices = #map1}, {transform_indices = #map}, {transform_indices = #map2}]} {
    %mul3A = arith.constant 2 : i32
    %mul3A_0 = arith.muli %arg1, %mul3A : i32
    %add3A = arith.addi %mul3A_0, %arg0 : i32
    "tpu.region"() ({
      %run_scoped3A = tpu.sem_alloc : memref<!tpu.dma_semaphore, #tpu.memory_space<semaphore_mem>>
      tpu.enqueue_dma source(%arg5 : memref<8x128xf32, #tpu.memory_space<hbm>>) target(%arg11 : memref<8x128xf32, #tpu.memory_space<vmem>>) target_semaphore(%run_scoped3A : memref<!tpu.dma_semaphore, #tpu.memory_space<semaphore_mem>>)
      tpu.wait_dma2 semaphore(%run_scoped3A : memref<!tpu.dma_semaphore, #tpu.memory_space<semaphore_mem>>) src(%arg5 : memref<8x128xf32, #tpu.memory_space<hbm>>) dst(%arg11 : memref<8x128xf32, #tpu.memory_space<vmem>>)
      tpu.yield
    }) : () -> ()
    "tpu.region"() ({
      %run_scoped3A = tpu.sem_alloc : memref<!tpu.dma_semaphore, #tpu.memory_space<semaphore_mem>>
      %dma_start3A = arith.constant 0 : i32
      %dma_start3A_34 = tpu.memref_slice %arg3[%dma_start3A] : memref<320000xi32, #tpu.memory_space<hbm>> -> memref<16xi32, #tpu.memory_space<hbm>>
      %dma_start3A_35 = arith.constant 0 : i32
      %dma_start3A_36 = tpu.memref_slice %arg3[%dma_start3A_35] : memref<320000xi32, #tpu.memory_space<hbm>> -> memref<16xi32, #tpu.memory_space<hbm>>
      tpu.enqueue_dma source(%dma_start3A_36 : memref<16xi32, #tpu.memory_space<hbm>>) target(%arg12 : memref<16xi32, #tpu.memory_space<vmem>>) target_semaphore(%run_scoped3A : memref<!tpu.dma_semaphore, #tpu.memory_space<semaphore_mem>>)
      %dma_wait3A = arith.constant 0 : i32
      %dma_wait3A_37 = tpu.memref_slice %arg3[%dma_wait3A] : memref<320000xi32, #tpu.memory_space<hbm>> -> memref<16xi32, #tpu.memory_space<hbm>>
      %dma_wait3A_38 = arith.constant 0 : i32
      %dma_wait3A_39 = tpu.memref_slice %arg3[%dma_wait3A_38] : memref<320000xi32, #tpu.memory_space<hbm>> -> memref<16xi32, #tpu.memory_space<hbm>>
      tpu.wait_dma2 semaphore(%run_scoped3A : memref<!tpu.dma_semaphore, #tpu.memory_space<semaphore_mem>>) src(%dma_wait3A_39 : memref<16xi32, #tpu.memory_space<hbm>>) dst(%arg12 : memref<16xi32, #tpu.memory_space<vmem>>)
      tpu.yield
    }) : () -> ()
    %broadcast_in_dim3A = arith.constant 0.000000e+00 : f32
    %broadcast_in_dim3A_1 = vector.broadcast %broadcast_in_dim3A : f32 to vector<16xf32>
    %scan3A = arith.constant 0 : i32
    %scan3A_2 = arith.constant 0 : i32
    %scan3A_3 = arith.constant 128 : i32
    %scan3A_4 = arith.addi %scan3A_2, %scan3A_3 : i32
    %scan3A_5 = arith.constant 1 : i32
    %scan3A_6 = scf.for %scan3A_34 = %scan3A_2 to %scan3A_4 step %scan3A_5 iter_args(%scan3A_35 = %scan3A) -> (i32)  : i32 {
      %jit3A_36 = arith.constant 8 : i32
      %div3A = arith.divsi %scan3A_34, %jit3A_36 : i32
      %sign3A = arith.constant 0 : i32
      %sign3A_37 = arith.cmpi sgt, %scan3A_34, %sign3A : i32
      %sign3A_38 = arith.extui %sign3A_37 : i1 to i32
      %sign3A_39 = arith.constant 0 : i32
      %sign3A_40 = arith.cmpi slt, %scan3A_34, %sign3A_39 : i32
      %sign3A_41 = arith.extui %sign3A_40 : i1 to i32
      %sign3A_42 = arith.subi %sign3A_38, %sign3A_41 : i32
      %sign3A_43 = arith.constant 0 : i32
      %sign3A_44 = arith.cmpi sgt, %jit3A_36, %sign3A_43 : i32
      %sign3A_45 = arith.extui %sign3A_44 : i1 to i32
      %sign3A_46 = arith.constant 0 : i32
      %sign3A_47 = arith.cmpi slt, %jit3A_36, %sign3A_46 : i32
      %sign3A_48 = arith.extui %sign3A_47 : i1 to i32
      %sign3A_49 = arith.subi %sign3A_45, %sign3A_48 : i32
      %ne3A = arith.cmpi ne, %sign3A_42, %sign3A_49 : i32
      %rem3A = arith.remsi %scan3A_34, %jit3A_36 : i32
      %ne3A_50 = arith.constant 0 : i32
      %ne3A_51 = arith.cmpi ne, %rem3A, %ne3A_50 : i32
      %and3A = arith.andi %ne3A, %ne3A_51 : i1
      %sub3A = arith.constant 1 : i32
      %sub3A_52 = arith.subi %div3A, %sub3A : i32
      %select_n3A_53 = arith.select %and3A, %sub3A_52, %div3A : i32
      %jit3A_54 = arith.constant 8 : i32
      %eq3A = arith.constant 0 : i32
      %eq3A_55 = arith.cmpi eq, %jit3A_54, %eq3A : i32
      %jit3A_56 = arith.constant 1 : i32
      %select_n3A_57 = arith.select %eq3A_55, %jit3A_56, %jit3A_54 : i32
      %rem3A_58 = arith.remsi %scan3A_34, %select_n3A_57 : i32
      %ne3A_59 = arith.constant 0 : i32
      %ne3A_60 = arith.cmpi ne, %rem3A_58, %ne3A_59 : i32
      %lt3A_61 = arith.constant 0 : i32
      %lt3A_62 = arith.cmpi slt, %rem3A_58, %lt3A_61 : i32
      %lt3A_63 = arith.constant 0 : i32
      %lt3A_64 = arith.cmpi slt, %select_n3A_57, %lt3A_63 : i32
      %ne3A_65 = arith.xori %lt3A_62, %lt3A_64 : i1
      %and3A_66 = arith.andi %ne3A_65, %ne3A_60 : i1
      %add3A_67 = arith.addi %rem3A_58, %select_n3A_57 : i32
      %select_n3A_68 = arith.select %and3A_66, %add3A_67, %rem3A_58 : i32
      %mul3A_69 = arith.constant 16 : i32
      %mul3A_70 = arith.muli %select_n3A_68, %mul3A_69 : i32
      %swap3A = arith.index_cast %select_n3A_53 : i32 to index
      %swap3A_71 = arith.index_cast %mul3A_70 : i32 to index
      %swap3A_72 = tpu.vector_load %arg10[%swap3A, %swap3A_71] {strides = array<i32>} : memref<16x128xf32, #tpu.memory_space<vmem>>, vector<1x16xf32>,
      %swap3A_73 = vector.shape_cast %swap3A_72 : vector<1x16xf32> to vector<16xf32>
      %swap3A_74 = vector.shape_cast %broadcast_in_dim3A_1 : vector<16xf32> to vector<1x16xf32>
      tpu.vector_store %arg10[%swap3A, %swap3A_71], %swap3A_74 {strides = array<i32>} : memref<16x128xf32, #tpu.memory_space<vmem>>, vector<1x16xf32>,
      %scan3A_75 = arith.constant 0 : i32
      scf.yield %scan3A_75 : i32
    }
    %scan3A_7 = arith.constant 128 : i32
    %mul3A_8 = arith.constant 632 : i32
    %mul3A_9 = arith.muli %arg1, %mul3A_8 : i32
    %scan3A_10 = arith.constant 0 : i32
    %scan3A_11 = arith.constant 0 : i32
    %scan3A_12 = arith.constant 39 : i32
    %scan3A_13 = arith.addi %scan3A_11, %scan3A_12 : i32
    %scan3A_14 = arith.constant 1 : i32
    %scan3A_15 = scf.for %scan3A_34 = %scan3A_11 to %scan3A_13 step %scan3A_14 iter_args(%scan3A_35 = %scan3A_10) -> (i32)  : i32 {
      %mul3A_36 = arith.constant 16 : i32
      %mul3A_37 = arith.muli %scan3A_34, %mul3A_36 : i32
      %add3A_38 = arith.addi %mul3A_9, %mul3A_37 : i32
      "tpu.region"() ({
        %run_scoped3A = tpu.sem_alloc : memref<!tpu.dma_semaphore, #tpu.memory_space<semaphore_mem>>
        %dma_start3A = arith.constant 0 : i32
        %dma_start3A_40 = tpu.memref_slice %arg14[%add3A_38, %dma_start3A] : memref<10112x128xf32, #tpu.memory_space<vmem_shared>> -> memref<16x128xf32, #tpu.memory_space<vmem_shared>>
        %dma_start3A_41 = arith.constant 0 : i32
        %dma_start3A_42 = tpu.memref_slice %arg14[%add3A_38, %dma_start3A_41] : memref<10112x128xf32, #tpu.memory_space<vmem_shared>> -> memref<16x128xf32, #tpu.memory_space<vmem_shared>>
        tpu.enqueue_dma source(%arg10 : memref<16x128xf32, #tpu.memory_space<vmem>>) target(%dma_start3A_42 : memref<16x128xf32, #tpu.memory_space<vmem_shared>>) target_semaphore(%run_scoped3A : memref<!tpu.dma_semaphore, #tpu.memory_space<semaphore_mem>>)
        %dma_wait3A = arith.constant 0 : i32
        %dma_wait3A_43 = tpu.memref_slice %arg14[%add3A_38, %dma_wait3A] : memref<10112x128xf32, #tpu.memory_space<vmem_shared>> -> memref<16x128xf32, #tpu.memory_space<vmem_shared>>
        %dma_wait3A_44 = arith.constant 0 : i32
        %dma_wait3A_45 = tpu.memref_slice %arg14[%add3A_38, %dma_wait3A_44] : memref<10112x128xf32, #tpu.memory_space<vmem_shared>> -> memref<16x128xf32, #tpu.memory_space<vmem_shared>>
        tpu.wait_dma2 semaphore(%run_scoped3A : memref<!tpu.dma_semaphore, #tpu.memory_space<semaphore_mem>>) src(%arg10 : memref<16x128xf32, #tpu.memory_space<vmem>>) dst(%dma_wait3A_45 : memref<16x128xf32, #tpu.memory_space<vmem_shared>>)
        tpu.yield
      }) : () -> ()
      %scan3A_39 = arith.constant 0 : i32
      scf.yield %scan3A_39 : i32
    }
    %scan3A_16 = arith.constant 39 : i32
    "tpu.region"() ({
      %run_scoped3A = tpu.sem_alloc : memref<!tpu.dma_semaphore, #tpu.memory_space<semaphore_mem>>
      %dma_start3A = arith.constant 0 : i32
      %dma_start3A_34 = arith.constant 0 : i32
      %dma_start3A_35 = tpu.memref_slice %arg13[%dma_start3A, %dma_start3A_34] : memref<520x128xf32, #tpu.memory_space<vmem_shared>> -> memref<16x128xf32, #tpu.memory_space<vmem_shared>>
      %dma_start3A_36 = arith.constant 0 : i32
      %dma_start3A_37 = arith.constant 0 : i32
      %dma_start3A_38 = tpu.memref_slice %arg13[%dma_start3A_36, %dma_start3A_37] : memref<520x128xf32, #tpu.memory_space<vmem_shared>> -> memref<16x128xf32, #tpu.memory_space<vmem_shared>>
      tpu.enqueue_dma source(%arg10 : memref<16x128xf32, #tpu.memory_space<vmem>>) target(%dma_start3A_38 : memref<16x128xf32, #tpu.memory_space<vmem_shared>>) target_semaphore(%run_scoped3A : memref<!tpu.dma_semaphore, #tpu.memory_space<semaphore_mem>>)
      %dma_wait3A = arith.constant 0 : i32
      %dma_wait3A_39 = arith.constant 0 : i32
      %dma_wait3A_40 = tpu.memref_slice %arg13[%dma_wait3A, %dma_wait3A_39] : memref<520x128xf32, #tpu.memory_space<vmem_shared>> -> memref<16x128xf32, #tpu.memory_space<vmem_shared>>
      %dma_wait3A_41 = arith.constant 0 : i32
      %dma_wait3A_42 = arith.constant 0 : i32
      %dma_wait3A_43 = tpu.memref_slice %arg13[%dma_wait3A_41, %dma_wait3A_42] : memref<520x128xf32, #tpu.memory_space<vmem_shared>> -> memref<16x128xf32, #tpu.memory_space<vmem_shared>>
      tpu.wait_dma2 semaphore(%run_scoped3A : memref<!tpu.dma_semaphore, #tpu.memory_space<semaphore_mem>>) src(%arg10 : memref<16x128xf32, #tpu.memory_space<vmem>>) dst(%dma_wait3A_43 : memref<16x128xf32, #tpu.memory_space<vmem_shared>>)
      tpu.yield
    }) : () -> ()
    %barrier3A = arith.constant 0 : index
    tpu.barrier barrier_id(%barrier3A)
    %lt3A = arith.constant 4 : i32
    %lt3A_17 = arith.cmpi slt, %add3A, %lt3A : i32
    %jit3A = arith.constant 1 : i32
    %jit3A_18 = arith.constant 0 : i32
    %select_n3A = arith.select %lt3A_17, %jit3A, %jit3A_18 : i32
    %add3A_19 = arith.constant 78 : i32
    %add3A_20 = arith.addi %add3A_19, %select_n3A : i32
    %while3A = arith.constant 0 : i32
    %while3A_21 = arith.constant 0 : i32
    %while3A_22 = arith.subi %add3A_20, %while3A : i32
    %while3A_23 = arith.addi %while3A, %while3A_22 : i32
    %while3A_24 = arith.constant 1 : i32
    %while3A_25 = arith.divsi %while3A_22, %while3A_24 : i32
    %while3A_26 = arith.muli %while3A_25, %while3A_24 : i32
    %while3A_27 = arith.addi %while3A, %while3A_26 : i32
    %while3A_28 = arith.constant 1 : i32
    %while3A_29 = scf.for %while3A_34 = %while3A to %while3A_27 step %while3A_28 iter_args(%while3A_35 = %while3A_21) -> (i32)  : i32 {
      %mul3A_36 = arith.constant 32 : i32
      %mul3A_37 = arith.muli %while3A_34, %mul3A_36 : i32
      %add3A_38 = arith.addi %add3A, %mul3A_37 : i32
      %mul3A_39 = arith.constant 128 : i32
      %mul3A_40 = arith.muli %add3A_38, %mul3A_39 : i32
      %multiple_of3A = tpu.assume_multiple %mul3A_40, 128 : i32
      "tpu.region"() ({
        %run_scoped3A = tpu.sem_alloc : memref<!tpu.dma_semaphore, #tpu.memory_space<semaphore_mem>>
        %dma_start3A_46 = tpu.memref_slice %arg3[%multiple_of3A] : memref<320000xi32, #tpu.memory_space<hbm>> -> memref<128xi32, #tpu.memory_space<hbm>>
        %dma_start3A_47 = tpu.memref_slice %arg3[%multiple_of3A] : memref<320000xi32, #tpu.memory_space<hbm>> -> memref<128xi32, #tpu.memory_space<hbm>>
        tpu.enqueue_dma source(%dma_start3A_47 : memref<128xi32, #tpu.memory_space<hbm>>) target(%arg7 : memref<128xi32, #tpu.memory_space<vmem>>) target_semaphore(%run_scoped3A : memref<!tpu.dma_semaphore, #tpu.memory_space<semaphore_mem>>)
        %dma_wait3A_48 = tpu.memref_slice %arg3[%multiple_of3A] : memref<320000xi32, #tpu.memory_space<hbm>> -> memref<128xi32, #tpu.memory_space<hbm>>
        %dma_wait3A_49 = tpu.memref_slice %arg3[%multiple_of3A] : memref<320000xi32, #tpu.memory_space<hbm>> -> memref<128xi32, #tpu.memory_space<hbm>>
        tpu.wait_dma2 semaphore(%run_scoped3A : memref<!tpu.dma_semaphore, #tpu.memory_space<semaphore_mem>>) src(%dma_wait3A_49 : memref<128xi32, #tpu.memory_space<hbm>>) dst(%arg7 : memref<128xi32, #tpu.memory_space<vmem>>)
        tpu.yield
      }) : () -> ()
      "tpu.region"() ({
        %run_scoped3A = tpu.sem_alloc : memref<!tpu.dma_semaphore, #tpu.memory_space<semaphore_mem>>
        %dma_start3A_46 = tpu.memref_slice %arg4[%multiple_of3A] : memref<320000xi32, #tpu.memory_space<hbm>> -> memref<128xi32, #tpu.memory_space<hbm>>
        %dma_start3A_47 = tpu.memref_slice %arg4[%multiple_of3A] : memref<320000xi32, #tpu.memory_space<hbm>> -> memref<128xi32, #tpu.memory_space<hbm>>
        tpu.enqueue_dma source(%dma_start3A_47 : memref<128xi32, #tpu.memory_space<hbm>>) target(%arg8 : memref<128xi32, #tpu.memory_space<vmem>>) target_semaphore(%run_scoped3A : memref<!tpu.dma_semaphore, #tpu.memory_space<semaphore_mem>>)
        %dma_wait3A_48 = tpu.memref_slice %arg4[%multiple_of3A] : memref<320000xi32, #tpu.memory_space<hbm>> -> memref<128xi32, #tpu.memory_space<hbm>>
        %dma_wait3A_49 = tpu.memref_slice %arg4[%multiple_of3A] : memref<320000xi32, #tpu.memory_space<hbm>> -> memref<128xi32, #tpu.memory_space<hbm>>
        tpu.wait_dma2 semaphore(%run_scoped3A : memref<!tpu.dma_semaphore, #tpu.memory_space<semaphore_mem>>) src(%dma_wait3A_49 : memref<128xi32, #tpu.memory_space<hbm>>) dst(%arg8 : memref<128xi32, #tpu.memory_space<vmem>>)
        tpu.yield
      }) : () -> ()
      %dma_start3A = arith.constant 0 : i32
      %dma_start3A_41 = arith.constant 0 : i32
      %dma_start3A_42 = tpu.memref_slice %arg2[%dma_start3A, %dma_start3A_41] : memref<10112x128xf32, #tpu.memory_space<hbm>> -> memref<10112x128xf32, #tpu.memory_space<hbm>>
      tpu.enqueue_indirect_dma source(%dma_start3A_42 : memref<10112x128xf32, #tpu.memory_space<hbm>>) target(%arg9 : memref<128x128xf32, #tpu.memory_space<vmem>>) offsets(%arg7 : memref<128xi32, #tpu.memory_space<vmem>>) semaphore(%arg15 : memref<!tpu.dma_semaphore, #tpu.memory_space<semaphore_mem>>)
      %dma_wait3A = arith.constant 0 : i32
      %dma_wait3A_43 = arith.constant 0 : i32
      %dma_wait3A_44 = tpu.memref_slice %arg2[%dma_wait3A, %dma_wait3A_43] : memref<10112x128xf32, #tpu.memory_space<hbm>> -> memref<10112x128xf32, #tpu.memory_space<hbm>>
      tpu.wait_indirect_dma semaphore(%arg15 : memref<!tpu.dma_semaphore, #tpu.memory_space<semaphore_mem>>) src(%dma_wait3A_44 : memref<10112x128xf32, #tpu.memory_space<hbm>>) dst(%arg9 : memref<128x128xf32, #tpu.memory_space<vmem>>)
      "tpu.region"() ({
        %run_scoped3A = tpu.sem_alloc : memref<!tpu.dma_semaphore, #tpu.memory_space<semaphore_mem>>
        %dma_start3A_46 = arith.constant 0 : i32
        %dma_start3A_47 = arith.constant 0 : i32
        %dma_start3A_48 = tpu.memref_slice %arg14[%dma_start3A_46, %dma_start3A_47] : memref<10112x128xf32, #tpu.memory_space<vmem_shared>> -> memref<10112x128xf32, #tpu.memory_space<vmem_shared>>
        tpu.enqueue_indirect_dma source(%arg9 : memref<128x128xf32, #tpu.memory_space<vmem>>) target(%dma_start3A_48 : memref<10112x128xf32, #tpu.memory_space<vmem_shared>>) offsets(%arg8 : memref<128xi32, #tpu.memory_space<vmem>>) semaphore(%run_scoped3A : memref<!tpu.dma_semaphore, #tpu.memory_space<semaphore_mem>>) {add = true}
        %dma_wait3A_49 = arith.constant 0 : i32
        %dma_wait3A_50 = arith.constant 0 : i32
        %dma_wait3A_51 = tpu.memref_slice %arg14[%dma_wait3A_49, %dma_wait3A_50] : memref<10112x128xf32, #tpu.memory_space<vmem_shared>> -> memref<10112x128xf32, #tpu.memory_space<vmem_shared>>
        tpu.wait_indirect_dma semaphore(%run_scoped3A : memref<!tpu.dma_semaphore, #tpu.memory_space<semaphore_mem>>) src(%arg9 : memref<128x128xf32, #tpu.memory_space<vmem>>) dst(%dma_wait3A_51 : memref<10112x128xf32, #tpu.memory_space<vmem_shared>>)
        tpu.yield
      }) : () -> ()
      %while3A_45 = arith.constant 0 : i32
      scf.yield %while3A_45 : i32
    }
    %while3A_30 = arith.constant 1 : i32
    %while3A_31 = scf.for %while3A_34 = %while3A_27 to %while3A_23 step %while3A_30 iter_args(%while3A_35 = %while3A_29) -> (i32)  : i32 {
      %mul3A_36 = arith.constant 32 : i32
      %mul3A_37 = arith.muli %while3A_34, %mul3A_36 : i32
      %add3A_38 = arith.addi %add3A, %mul3A_37 : i32
      %mul3A_39 = arith.constant 128 : i32
      %mul3A_40 = arith.muli %add3A_38, %mul3A_39 : i32
      %multiple_of3A = tpu.assume_multiple %mul3A_40, 128 : i32
      "tpu.region"() ({
        %run_scoped3A = tpu.sem_alloc : memref<!tpu.dma_semaphore, #tpu.memory_space<semaphore_mem>>
        %dma_start3A_46 = tpu.memref_slice %arg3[%multiple_of3A] : memref<320000xi32, #tpu.memory_space<hbm>> -> memref<128xi32, #tpu.memory_space<hbm>>
        %dma_start3A_47 = tpu.memref_slice %arg3[%multiple_of3A] : memref<320000xi32, #tpu.memory_space<hbm>> -> memref<128xi32, #tpu.memory_space<hbm>>
        tpu.enqueue_dma source(%dma_start3A_47 : memref<128xi32, #tpu.memory_space<hbm>>) target(%arg7 : memref<128xi32, #tpu.memory_space<vmem>>) target_semaphore(%run_scoped3A : memref<!tpu.dma_semaphore, #tpu.memory_space<semaphore_mem>>)
        %dma_wait3A_48 = tpu.memref_slice %arg3[%multiple_of3A] : memref<320000xi32, #tpu.memory_space<hbm>> -> memref<128xi32, #tpu.memory_space<hbm>>
        %dma_wait3A_49 = tpu.memref_slice %arg3[%multiple_of3A] : memref<320000xi32, #tpu.memory_space<hbm>> -> memref<128xi32, #tpu.memory_space<hbm>>
        tpu.wait_dma2 semaphore(%run_scoped3A : memref<!tpu.dma_semaphore, #tpu.memory_space<semaphore_mem>>) src(%dma_wait3A_49 : memref<128xi32, #tpu.memory_space<hbm>>) dst(%arg7 : memref<128xi32, #tpu.memory_space<vmem>>)
        tpu.yield
      }) : () -> ()
      "tpu.region"() ({
        %run_scoped3A = tpu.sem_alloc : memref<!tpu.dma_semaphore, #tpu.memory_space<semaphore_mem>>
        %dma_start3A_46 = tpu.memref_slice %arg4[%multiple_of3A] : memref<320000xi32, #tpu.memory_space<hbm>> -> memref<128xi32, #tpu.memory_space<hbm>>
        %dma_start3A_47 = tpu.memref_slice %arg4[%multiple_of3A] : memref<320000xi32, #tpu.memory_space<hbm>> -> memref<128xi32, #tpu.memory_space<hbm>>
        tpu.enqueue_dma source(%dma_start3A_47 : memref<128xi32, #tpu.memory_space<hbm>>) target(%arg8 : memref<128xi32, #tpu.memory_space<vmem>>) target_semaphore(%run_scoped3A : memref<!tpu.dma_semaphore, #tpu.memory_space<semaphore_mem>>)
        %dma_wait3A_48 = tpu.memref_slice %arg4[%multiple_of3A] : memref<320000xi32, #tpu.memory_space<hbm>> -> memref<128xi32, #tpu.memory_space<hbm>>
        %dma_wait3A_49 = tpu.memref_slice %arg4[%multiple_of3A] : memref<320000xi32, #tpu.memory_space<hbm>> -> memref<128xi32, #tpu.memory_space<hbm>>
        tpu.wait_dma2 semaphore(%run_scoped3A : memref<!tpu.dma_semaphore, #tpu.memory_space<semaphore_mem>>) src(%dma_wait3A_49 : memref<128xi32, #tpu.memory_space<hbm>>) dst(%arg8 : memref<128xi32, #tpu.memory_space<vmem>>)
        tpu.yield
      }) : () -> ()
      %dma_start3A = arith.constant 0 : i32
      %dma_start3A_41 = arith.constant 0 : i32
      %dma_start3A_42 = tpu.memref_slice %arg2[%dma_start3A, %dma_start3A_41] : memref<10112x128xf32, #tpu.memory_space<hbm>> -> memref<10112x128xf32, #tpu.memory_space<hbm>>
      tpu.enqueue_indirect_dma source(%dma_start3A_42 : memref<10112x128xf32, #tpu.memory_space<hbm>>) target(%arg9 : memref<128x128xf32, #tpu.memory_space<vmem>>) offsets(%arg7 : memref<128xi32, #tpu.memory_space<vmem>>) semaphore(%arg15 : memref<!tpu.dma_semaphore, #tpu.memory_space<semaphore_mem>>)
      %dma_wait3A = arith.constant 0 : i32
      %dma_wait3A_43 = arith.constant 0 : i32
      %dma_wait3A_44 = tpu.memref_slice %arg2[%dma_wait3A, %dma_wait3A_43] : memref<10112x128xf32, #tpu.memory_space<hbm>> -> memref<10112x128xf32, #tpu.memory_space<hbm>>
      tpu.wait_indirect_dma semaphore(%arg15 : memref<!tpu.dma_semaphore, #tpu.memory_space<semaphore_mem>>) src(%dma_wait3A_44 : memref<10112x128xf32, #tpu.memory_space<hbm>>) dst(%arg9 : memref<128x128xf32, #tpu.memory_space<vmem>>)
      "tpu.region"() ({
        %run_scoped3A = tpu.sem_alloc : memref<!tpu.dma_semaphore, #tpu.memory_space<semaphore_mem>>
        %dma_start3A_46 = arith.constant 0 : i32
        %dma_start3A_47 = arith.constant 0 : i32
        %dma_start3A_48 = tpu.memref_slice %arg14[%dma_start3A_46, %dma_start3A_47] : memref<10112x128xf32, #tpu.memory_space<vmem_shared>> -> memref<10112x128xf32, #tpu.memory_space<vmem_shared>>
        tpu.enqueue_indirect_dma source(%arg9 : memref<128x128xf32, #tpu.memory_space<vmem>>) target(%dma_start3A_48 : memref<10112x128xf32, #tpu.memory_space<vmem_shared>>) offsets(%arg8 : memref<128xi32, #tpu.memory_space<vmem>>) semaphore(%run_scoped3A : memref<!tpu.dma_semaphore, #tpu.memory_space<semaphore_mem>>) {add = true}
        %dma_wait3A_49 = arith.constant 0 : i32
        %dma_wait3A_50 = arith.constant 0 : i32
        %dma_wait3A_51 = tpu.memref_slice %arg14[%dma_wait3A_49, %dma_wait3A_50] : memref<10112x128xf32, #tpu.memory_space<vmem_shared>> -> memref<10112x128xf32, #tpu.memory_space<vmem_shared>>
        tpu.wait_indirect_dma semaphore(%run_scoped3A : memref<!tpu.dma_semaphore, #tpu.memory_space<semaphore_mem>>) src(%arg9 : memref<128x128xf32, #tpu.memory_space<vmem>>) dst(%dma_wait3A_51 : memref<10112x128xf32, #tpu.memory_space<vmem_shared>>)
        tpu.yield
      }) : () -> ()
      %while3A_45 = arith.constant 0 : i32
      scf.yield %while3A_45 : i32
    }
    %barrier3A_32 = arith.constant 0 : index
    tpu.barrier barrier_id(%barrier3A_32)
    "tpu.region"() ({
      %run_scoped3A = tpu.sem_alloc : memref<!tpu.dma_semaphore, #tpu.memory_space<semaphore_mem>>
      %dma_start3A = arith.constant 0 : i32
      %dma_start3A_34 = arith.constant 0 : i32
      %dma_start3A_35 = tpu.memref_slice %arg14[%dma_start3A, %dma_start3A_34] : memref<10112x128xf32, #tpu.memory_space<vmem_shared>> -> memref<10112x128xf32, #tpu.memory_space<vmem_shared>>
      tpu.enqueue_indirect_dma source(%arg10 : memref<16x128xf32, #tpu.memory_space<vmem>>) target(%dma_start3A_35 : memref<10112x128xf32, #tpu.memory_space<vmem_shared>>) offsets(%arg12 : memref<16xi32, #tpu.memory_space<vmem>>) semaphore(%run_scoped3A : memref<!tpu.dma_semaphore, #tpu.memory_space<semaphore_mem>>) {add = true}
      %dma_wait3A = arith.constant 0 : i32
      %dma_wait3A_36 = arith.constant 0 : i32
      %dma_wait3A_37 = tpu.memref_slice %arg14[%dma_wait3A, %dma_wait3A_36] : memref<10112x128xf32, #tpu.memory_space<vmem_shared>> -> memref<10112x128xf32, #tpu.memory_space<vmem_shared>>
      tpu.wait_indirect_dma semaphore(%run_scoped3A : memref<!tpu.dma_semaphore, #tpu.memory_space<semaphore_mem>>) src(%arg10 : memref<16x128xf32, #tpu.memory_space<vmem>>) dst(%dma_wait3A_37 : memref<10112x128xf32, #tpu.memory_space<vmem_shared>>)
      tpu.yield
    }) : () -> ()
    %barrier3A_33 = arith.constant 0 : index
    tpu.barrier barrier_id(%barrier3A_33)
    "tpu.region"() ({
      %run_scoped3A = tpu.sem_alloc : memref<!tpu.dma_semaphore, #tpu.memory_space<semaphore_mem>>
      %dma_start3A = arith.constant 0 : i32
      %dma_start3A_34 = tpu.memref_slice %arg6[%arg0, %mul3A_9, %dma_start3A] : memref<2x10112x128xf32, #tpu.memory_space<hbm>> -> memref<1x632x128xf32, #tpu.memory_space<hbm>>
      %dma_start3A_35 = tpu.memref_squeeze %dma_start3A_34 : memref<1x632x128xf32, #tpu.memory_space<hbm>> -> memref<632x128xf32, #tpu.memory_space<hbm>>
      %dma_start3A_36 = arith.constant 0 : i32
      %dma_start3A_37 = tpu.memref_slice %arg14[%mul3A_9, %dma_start3A_36] : memref<10112x128xf32, #tpu.memory_space<vmem_shared>> -> memref<632x128xf32, #tpu.memory_space<vmem_shared>>
      tpu.enqueue_dma source(%dma_start3A_37 : memref<632x128xf32, #tpu.memory_space<vmem_shared>>) target(%dma_start3A_35 : memref<632x128xf32, #tpu.memory_space<hbm>>) target_semaphore(%run_scoped3A : memref<!tpu.dma_semaphore, #tpu.memory_space<semaphore_mem>>)
      %dma_wait3A = arith.constant 0 : i32
      %dma_wait3A_38 = tpu.memref_slice %arg6[%arg0, %mul3A_9, %dma_wait3A] : memref<2x10112x128xf32, #tpu.memory_space<hbm>> -> memref<1x632x128xf32, #tpu.memory_space<hbm>>
      %dma_wait3A_39 = tpu.memref_squeeze %dma_wait3A_38 : memref<1x632x128xf32, #tpu.memory_space<hbm>> -> memref<632x128xf32, #tpu.memory_space<hbm>>
      %dma_wait3A_40 = arith.constant 0 : i32
      %dma_wait3A_41 = tpu.memref_slice %arg14[%mul3A_9, %dma_wait3A_40] : memref<10112x128xf32, #tpu.memory_space<vmem_shared>> -> memref<632x128xf32, #tpu.memory_space<vmem_shared>>
      tpu.wait_dma2 semaphore(%run_scoped3A : memref<!tpu.dma_semaphore, #tpu.memory_space<semaphore_mem>>) src(%dma_wait3A_41 : memref<632x128xf32, #tpu.memory_space<vmem_shared>>) dst(%dma_wait3A_39 : memref<632x128xf32, #tpu.memory_space<hbm>>)
      tpu.yield
    }) : () -> ()
    return
  }
}

module attributes {stable_mosaic.version = 14 : i64} {
  func.func @body(%arg0: i32, %arg1: memref<2x640x128xf32, #tpu.memory_space<vmem>>, %arg2: memref<2x640x128xf32, #tpu.memory_space<vmem>>, %arg3: memref<640x128xf32, #tpu.memory_space<vmem>>, %arg4: memref<128x128xf32, #tpu.memory_space<vmem>>, %arg5: memref<1x128xf32, #tpu.memory_space<vmem>>, %arg6: memref<128x128xf32, #tpu.memory_space<vmem>>, %arg7: memref<640x128xf32, #tpu.memory_space<vmem>>) attributes {dimension_semantics = [#tpu.dimension_semantics<arbitrary>], iteration_bounds = array<i64: 15>, scalar_prefetch = 0 : i64, scratch_operands = 0 : i64, tpu.core_type = #tpu.core_type<tc>, window_params = [{transform_indices = @transform_0, window_bounds = array<i64: 2, 640, 128>}, {transform_indices = @transform_1, window_bounds = array<i64: 2, 640, 128>}, {transform_indices = @transform_2, window_bounds = array<i64: 640, 128>}, {pipeline_mode = #tpu.pipeline_mode<synchronous>, transform_indices = @transform_3, window_bounds = array<i64: 128, 128>}, {pipeline_mode = #tpu.pipeline_mode<synchronous>, transform_indices = @transform_4, window_bounds = array<i64: 1, 128>}, {pipeline_mode = #tpu.pipeline_mode<synchronous>, transform_indices = @transform_5, window_bounds = array<i64: 128, 128>}, {transform_indices = @transform_6, window_bounds = array<i64: 640, 128>}]} {
    %get3A = arith.constant 0 : index
    %get3A_0 = arith.constant 0 : index
    %get3A_1 = arith.constant 0 : index
    %get3A_2 = vector.load %arg1[%get3A, %get3A_0, %get3A_1] : memref<2x640x128xf32, #tpu.memory_space<vmem>>, vector<1x640x128xf32>
    %get3A_3 = vector.shape_cast %get3A_2 : vector<1x640x128xf32> to vector<640x128xf32>
    %get3A_4 = arith.constant 1 : index
    %get3A_5 = arith.constant 0 : index
    %get3A_6 = arith.constant 0 : index
    %get3A_7 = vector.load %arg1[%get3A_4, %get3A_5, %get3A_6] : memref<2x640x128xf32, #tpu.memory_space<vmem>>, vector<1x640x128xf32>
    %get3A_8 = vector.shape_cast %get3A_7 : vector<1x640x128xf32> to vector<640x128xf32>
    %add3A = arith.addf %get3A_3, %get3A_8 : vector<640x128xf32>
    %get3A_9 = arith.constant 0 : index
    %get3A_10 = arith.constant 0 : index
    %get3A_11 = arith.constant 0 : index
    %get3A_12 = vector.load %arg2[%get3A_9, %get3A_10, %get3A_11] : memref<2x640x128xf32, #tpu.memory_space<vmem>>, vector<1x640x1xf32>
    %get3A_13 = vector.shape_cast %get3A_12 : vector<1x640x1xf32> to vector<640x1xf32>
    %get3A_14 = arith.constant 1 : index
    %get3A_15 = arith.constant 0 : index
    %get3A_16 = arith.constant 0 : index
    %get3A_17 = vector.load %arg2[%get3A_14, %get3A_15, %get3A_16] : memref<2x640x128xf32, #tpu.memory_space<vmem>>, vector<1x640x1xf32>
    %get3A_18 = vector.shape_cast %get3A_17 : vector<1x640x1xf32> to vector<640x1xf32>
    %add3A_19 = arith.addf %get3A_13, %get3A_18 : vector<640x1xf32>
    %max3A = arith.constant 1.000000e+00 : f32
    %max3A_20 = vector.broadcast %max3A : f32 to vector<640x1xf32>
    %max3A_21 = arith.maximumf %add3A_19, %max3A_20 : vector<640x1xf32>
    %div3A = vector.broadcast %max3A_21 : vector<640x1xf32> to vector<640x128xf32>
    %div3A_22 = arith.divf %add3A, %div3A : vector<640x128xf32>
    %get3A_23 = arith.constant 0 : index
    %get3A_24 = arith.constant 0 : index
    %get3A_25 = vector.load %arg4[%get3A_23, %get3A_24] : memref<128x128xf32, #tpu.memory_space<vmem>>, vector<128x128xf32>
    %dot_general3A = arith.constant dense<0.000000e+00> : vector<640x128xf32>
    %dot_general3A_26 = tpu.matmul %div3A_22, %get3A_25, %dot_general3A {dimension_numbers = #tpu.dot_dimension_numbers<[1], [0], [0], [1], [0, 0, 1, 1], [], []>, transpose_lhs_hint = false} : vector<640x128xf32>, vector<128x128xf32>, vector<640x128xf32> -> vector<640x128xf32>
    %get3A_27 = arith.constant 0 : index
    %get3A_28 = arith.constant 0 : index
    %get3A_29 = vector.load %arg5[%get3A_27, %get3A_28] : memref<1x128xf32, #tpu.memory_space<vmem>>, vector<1x128xf32>
    %add3A_30 = vector.broadcast %get3A_29 : vector<1x128xf32> to vector<640x128xf32>
    %add3A_31 = arith.addf %dot_general3A_26, %add3A_30 : vector<640x128xf32>
    %get3A_32 = arith.constant 0 : index
    %get3A_33 = arith.constant 0 : index
    %get3A_34 = vector.load %arg3[%get3A_32, %get3A_33] : memref<640x128xf32, #tpu.memory_space<vmem>>, vector<640x128xf32>
    %get3A_35 = arith.constant 0 : index
    %get3A_36 = arith.constant 0 : index
    %get3A_37 = vector.load %arg6[%get3A_35, %get3A_36] : memref<128x128xf32, #tpu.memory_space<vmem>>, vector<128x128xf32>
    %dot_general3A_38 = arith.constant dense<0.000000e+00> : vector<640x128xf32>
    %dot_general3A_39 = tpu.matmul %get3A_34, %get3A_37, %dot_general3A_38 {dimension_numbers = #tpu.dot_dimension_numbers<[1], [0], [0], [1], [0, 0, 1, 1], [], []>, transpose_lhs_hint = false} : vector<640x128xf32>, vector<128x128xf32>, vector<640x128xf32> -> vector<640x128xf32>
    %add3A_40 = arith.addf %add3A_31, %dot_general3A_39 : vector<640x128xf32>
    %max3A_41 = arith.constant 0.000000e+00 : f32
    %max3A_42 = vector.broadcast %max3A_41 : f32 to vector<640x128xf32>
    %max3A_43 = arith.maximumf %add3A_40, %max3A_42 : vector<640x128xf32>
    %swap3A = arith.constant 0 : index
    %swap3A_44 = arith.constant 0 : index
    %swap3A_45 = vector.load %arg7[%swap3A, %swap3A_44] : memref<640x128xf32, #tpu.memory_space<vmem>>, vector<640x128xf32>
    tpu.vector_store %arg7[%swap3A, %swap3A_44], %max3A_43 {strides = array<i32>} : memref<640x128xf32, #tpu.memory_space<vmem>>, vector<640x128xf32>,
    return
  }
  func.func @transform_0(%arg0: i32) -> (i32, i32, i32) {
    %c0_i32 = arith.constant 0 : i32
    %c0_i32_0 = arith.constant 0 : i32
    %c0_i32_1 = arith.constant 0 : i32
    return %c0_i32, %arg0, %c0_i32_0 : i32, i32, i32
  }
  func.func @transform_1(%arg0: i32) -> (i32, i32, i32) {
    %c0_i32 = arith.constant 0 : i32
    %c0_i32_0 = arith.constant 0 : i32
    %c0_i32_1 = arith.constant 0 : i32
    return %c0_i32, %arg0, %c0_i32_0 : i32, i32, i32
  }
  func.func @transform_2(%arg0: i32) -> (i32, i32) {
    %c0_i32 = arith.constant 0 : i32
    %c0_i32_0 = arith.constant 0 : i32
    return %arg0, %c0_i32 : i32, i32
  }
  func.func @transform_3(%arg0: i32) -> (i32, i32) {
    %c0_i32 = arith.constant 0 : i32
    %c0_i32_0 = arith.constant 0 : i32
    %c0_i32_1 = arith.constant 0 : i32
    return %c0_i32, %c0_i32_0 : i32, i32
  }
  func.func @transform_4(%arg0: i32) -> (i32, i32) {
    %c0_i32 = arith.constant 0 : i32
    %c0_i32_0 = arith.constant 0 : i32
    %c0_i32_1 = arith.constant 0 : i32
    return %c0_i32, %c0_i32_0 : i32, i32
  }
  func.func @transform_5(%arg0: i32) -> (i32, i32) {
    %c0_i32 = arith.constant 0 : i32
    %c0_i32_0 = arith.constant 0 : i32
    %c0_i32_1 = arith.constant 0 : i32
    return %c0_i32, %c0_i32_0 : i32, i32
  }
  func.func @transform_6(%arg0: i32) -> (i32, i32) {
    %c0_i32 = arith.constant 0 : i32
    %c0_i32_0 = arith.constant 0 : i32
    return %arg0, %c0_i32 : i32, i32
  }
}

module attributes {stable_mosaic.version = 14 : i64} {
  func.func @body(%arg0: i32, %arg1: memref<2x640x128xf32, #tpu.memory_space<vmem>>, %arg2: memref<2x640x128xf32, #tpu.memory_space<vmem>>, %arg3: memref<640x128xf32, #tpu.memory_space<vmem>>, %arg4: memref<128x128xf32, #tpu.memory_space<vmem>>, %arg5: memref<1x128xf32, #tpu.memory_space<vmem>>, %arg6: memref<128x128xf32, #tpu.memory_space<vmem>>, %arg7: memref<640x128xf32, #tpu.memory_space<vmem>>) attributes {dimension_semantics = [#tpu.dimension_semantics<arbitrary>], iteration_bounds = array<i64: 15>, scalar_prefetch = 0 : i64, scratch_operands = 0 : i64, tpu.core_type = #tpu.core_type<tc>, window_params = [{transform_indices = @transform_0, window_bounds = array<i64: 2, 640, 128>}, {transform_indices = @transform_1, window_bounds = array<i64: 2, 640, 128>}, {transform_indices = @transform_2, window_bounds = array<i64: 640, 128>}, {pipeline_mode = #tpu.pipeline_mode<synchronous>, transform_indices = @transform_3, window_bounds = array<i64: 128, 128>}, {pipeline_mode = #tpu.pipeline_mode<synchronous>, transform_indices = @transform_4, window_bounds = array<i64: 1, 128>}, {pipeline_mode = #tpu.pipeline_mode<synchronous>, transform_indices = @transform_5, window_bounds = array<i64: 128, 128>}, {transform_indices = @transform_6, window_bounds = array<i64: 640, 128>}]} {
    %get3A = arith.constant 0 : index
    %get3A_0 = arith.constant 0 : index
    %get3A_1 = arith.constant 0 : index
    %get3A_2 = vector.load %arg1[%get3A, %get3A_0, %get3A_1] : memref<2x640x128xf32, #tpu.memory_space<vmem>>, vector<1x640x128xf32>
    %get3A_3 = vector.shape_cast %get3A_2 : vector<1x640x128xf32> to vector<640x128xf32>
    %get3A_4 = arith.constant 1 : index
    %get3A_5 = arith.constant 0 : index
    %get3A_6 = arith.constant 0 : index
    %get3A_7 = vector.load %arg1[%get3A_4, %get3A_5, %get3A_6] : memref<2x640x128xf32, #tpu.memory_space<vmem>>, vector<1x640x128xf32>
    %get3A_8 = vector.shape_cast %get3A_7 : vector<1x640x128xf32> to vector<640x128xf32>
    %add3A = arith.addf %get3A_3, %get3A_8 : vector<640x128xf32>
    %get3A_9 = arith.constant 0 : index
    %get3A_10 = arith.constant 0 : index
    %get3A_11 = arith.constant 0 : index
    %get3A_12 = vector.load %arg2[%get3A_9, %get3A_10, %get3A_11] : memref<2x640x128xf32, #tpu.memory_space<vmem>>, vector<1x640x1xf32>
    %get3A_13 = vector.shape_cast %get3A_12 : vector<1x640x1xf32> to vector<640x1xf32>
    %get3A_14 = arith.constant 1 : index
    %get3A_15 = arith.constant 0 : index
    %get3A_16 = arith.constant 0 : index
    %get3A_17 = vector.load %arg2[%get3A_14, %get3A_15, %get3A_16] : memref<2x640x128xf32, #tpu.memory_space<vmem>>, vector<1x640x1xf32>
    %get3A_18 = vector.shape_cast %get3A_17 : vector<1x640x1xf32> to vector<640x1xf32>
    %add3A_19 = arith.addf %get3A_13, %get3A_18 : vector<640x1xf32>
    %max3A = arith.constant 1.000000e+00 : f32
    %max3A_20 = vector.broadcast %max3A : f32 to vector<640x1xf32>
    %max3A_21 = arith.maximumf %add3A_19, %max3A_20 : vector<640x1xf32>
    %div3A = vector.broadcast %max3A_21 : vector<640x1xf32> to vector<640x128xf32>
    %div3A_22 = arith.divf %add3A, %div3A : vector<640x128xf32>
    %get3A_23 = arith.constant 0 : index
    %get3A_24 = arith.constant 0 : index
    %get3A_25 = vector.load %arg4[%get3A_23, %get3A_24] : memref<128x128xf32, #tpu.memory_space<vmem>>, vector<128x128xf32>
    %dot_general3A = arith.constant dense<0.000000e+00> : vector<640x128xf32>
    %dot_general3A_26 = tpu.matmul %div3A_22, %get3A_25, %dot_general3A {dimension_numbers = #tpu.dot_dimension_numbers<[1], [0], [0], [1], [0, 0, 1, 1], [], []>, transpose_lhs_hint = false} : vector<640x128xf32>, vector<128x128xf32>, vector<640x128xf32> -> vector<640x128xf32>
    %get3A_27 = arith.constant 0 : index
    %get3A_28 = arith.constant 0 : index
    %get3A_29 = vector.load %arg5[%get3A_27, %get3A_28] : memref<1x128xf32, #tpu.memory_space<vmem>>, vector<1x128xf32>
    %add3A_30 = vector.broadcast %get3A_29 : vector<1x128xf32> to vector<640x128xf32>
    %add3A_31 = arith.addf %dot_general3A_26, %add3A_30 : vector<640x128xf32>
    %get3A_32 = arith.constant 0 : index
    %get3A_33 = arith.constant 0 : index
    %get3A_34 = vector.load %arg3[%get3A_32, %get3A_33] : memref<640x128xf32, #tpu.memory_space<vmem>>, vector<640x128xf32>
    %get3A_35 = arith.constant 0 : index
    %get3A_36 = arith.constant 0 : index
    %get3A_37 = vector.load %arg6[%get3A_35, %get3A_36] : memref<128x128xf32, #tpu.memory_space<vmem>>, vector<128x128xf32>
    %dot_general3A_38 = arith.constant dense<0.000000e+00> : vector<640x128xf32>
    %dot_general3A_39 = tpu.matmul %get3A_34, %get3A_37, %dot_general3A_38 {dimension_numbers = #tpu.dot_dimension_numbers<[1], [0], [0], [1], [0, 0, 1, 1], [], []>, transpose_lhs_hint = false} : vector<640x128xf32>, vector<128x128xf32>, vector<640x128xf32> -> vector<640x128xf32>
    %add3A_40 = arith.addf %add3A_31, %dot_general3A_39 : vector<640x128xf32>
    %reduce_max3A = arith.constant dense<0xFF800000> : vector<640xf32>
    %reduce_max3A_41 = vector.multi_reduction <maximumf>, %add3A_40, %reduce_max3A [1] : vector<640x128xf32> to vector<640xf32>
    %broadcast_in_dim3A = vector.shape_cast %reduce_max3A_41 : vector<640xf32> to vector<640x1xf32>
    %sub3A = vector.broadcast %broadcast_in_dim3A : vector<640x1xf32> to vector<640x128xf32>
    %sub3A_42 = arith.subf %add3A_40, %sub3A : vector<640x128xf32>
    %exp3A = math.exp %sub3A_42 : vector<640x128xf32>
    %reduce_sum3A = arith.constant dense<0.000000e+00> : vector<640xf32>
    %reduce_sum3A_43 = vector.multi_reduction <add>, %exp3A, %reduce_sum3A [1] : vector<640x128xf32> to vector<640xf32>
    %broadcast_in_dim3A_44 = vector.shape_cast %reduce_sum3A_43 : vector<640xf32> to vector<640x1xf32>
    %log3A = math.log %broadcast_in_dim3A_44 : vector<640x1xf32>
    %add3A_45 = arith.addf %log3A, %broadcast_in_dim3A : vector<640x1xf32>
    %sub3A_46 = vector.broadcast %add3A_45 : vector<640x1xf32> to vector<640x128xf32>
    %sub3A_47 = arith.subf %add3A_40, %sub3A_46 : vector<640x128xf32>
    %swap3A = arith.constant 0 : index
    %swap3A_48 = arith.constant 0 : index
    %swap3A_49 = vector.load %arg7[%swap3A, %swap3A_48] : memref<640x128xf32, #tpu.memory_space<vmem>>, vector<640x128xf32>
    tpu.vector_store %arg7[%swap3A, %swap3A_48], %sub3A_47 {strides = array<i32>} : memref<640x128xf32, #tpu.memory_space<vmem>>, vector<640x128xf32>,
    return
  }
  func.func @transform_0(%arg0: i32) -> (i32, i32, i32) {
    %c0_i32 = arith.constant 0 : i32
    %c0_i32_0 = arith.constant 0 : i32
    %c0_i32_1 = arith.constant 0 : i32
    return %c0_i32, %arg0, %c0_i32_0 : i32, i32, i32
  }
  func.func @transform_1(%arg0: i32) -> (i32, i32, i32) {
    %c0_i32 = arith.constant 0 : i32
    %c0_i32_0 = arith.constant 0 : i32
    %c0_i32_1 = arith.constant 0 : i32
    return %c0_i32, %arg0, %c0_i32_0 : i32, i32, i32
  }
  func.func @transform_2(%arg0: i32) -> (i32, i32) {
    %c0_i32 = arith.constant 0 : i32
    %c0_i32_0 = arith.constant 0 : i32
    return %arg0, %c0_i32 : i32, i32
  }
  func.func @transform_3(%arg0: i32) -> (i32, i32) {
    %c0_i32 = arith.constant 0 : i32
    %c0_i32_0 = arith.constant 0 : i32
    %c0_i32_1 = arith.constant 0 : i32
    return %c0_i32, %c0_i32_0 : i32, i32
  }
  func.func @transform_4(%arg0: i32) -> (i32, i32) {
    %c0_i32 = arith.constant 0 : i32
    %c0_i32_0 = arith.constant 0 : i32
    %c0_i32_1 = arith.constant 0 : i32
    return %c0_i32, %c0_i32_0 : i32, i32
  }
  func.func @transform_5(%arg0: i32) -> (i32, i32) {
    %c0_i32 = arith.constant 0 : i32
    %c0_i32_0 = arith.constant 0 : i32
    %c0_i32_1 = arith.constant 0 : i32
    return %c0_i32, %c0_i32_0 : i32, i32
  }
  func.func @transform_6(%arg0: i32) -> (i32, i32) {
    %c0_i32 = arith.constant 0 : i32
    %c0_i32_0 = arith.constant 0 : i32
    return %arg0, %c0_i32 : i32, i32
  }
}

</mosaic_0001>

<sc_bundles>
// kernel: kernel.12.cloned.1.call-start
scs
__scs_entry_jumppad:
0x0: {  	(pc) =	sbr.rel $0x88, $3  }
0x1: {  	(tag) =	ssettag $0x0;
	lr =	simm.s32 $0x1  }
0x2: {  	[smem:$0x3F96] =	sst lr;
	_ =	strace $0xD0000000  }
0x3: {  	_ = 	snop  }
0x4: {  	_ = 	snop  }
0x5: {  	_ = 	snop  }
0x6: {  	_ = 	snop  }
0x7: {  	_ = 	snop  }
__scs_overlays_trampoline_lowered:
0x8: {  	[smem:$0x3FA5] =	sst s0  }
0x9: {  	[smem:$0x3FA6] =	sst s1  }
0xa: {  	[smem:$0x3FA7] =	sst s2  }
0xb: {  	[smem:$0x3FA8] =	sst s3  }
0xc: {  	[smem:$0x3FA9] =	sst s4  }
0xd: {  	[smem:$0x3FAA] =	sst s5  }
0xe: {  	[smem:$0x3FAB] =	sst s6  }
0xf: {  	[smem:$0x3FAC] =	sst s7  }
0x10: {  	[smem:$0x3FAD] =	sst s8  }
0x11: {  	[smem:$0x3FAE] =	sst s9;
	s0 =	simm.s32 @!p0 $0x0  }
0x12: {  	s1 =	sld [smem:$0x3F94];
	s0 =	simm.s32 @p0 $0x1  }
0x13: {  	[smem:$0x3FAF] =	sst s0;
	s0 =	simm.s32 @!p1 $0x0  }
0x14: {  	s2 =	sld [smem:$0x3F93];
	s0 =	simm.s32 @p1 $0x1  }
0x15: {  	[smem:$0x3FB0] =	sst s0;
	s0 =	simm.s32 @!p2 $0x0  }
0x16: {  	s3 =	sld [smem:$0x3FDB];
	s0 =	simm.s32 @p2 $0x1  }
0x17: {  	s4 =	simm.s32 $0x1BF5;
	[smem:$0x3FB2] =	sst s0  }
0x18: {  	s0 =	sld [smem:$0x3F95];
	_ =	swait.ge [sflag:s4], $0x0  }
0x19: {  	s7 =	sld [smem:$0x3F96]  }
0x1a: {  	s8 =	sadd.s32 $0xFFFFE003, lr  }
0x1b: {  	s9 =	sadd.s32 $0xFFFFFEF7, lr;
	s5 =	simm.s32 $0xFFFFFFFF;
	p2 =	slt.u32 s8, $0xFFFFF086  }
0x1c: {  	p1 =	slt.u32 s9, $0xF7A;
	s5 =	simm.s32 @!p2 $0x0  }
0x1d: {  	s5 =	simm.s32 @p1 $0x1;
	p0 =	seq.s32 s7, s2  }
0x1e: {  	s7 =	smul.u32 @!p0 $0xF7A, s2;
	p2 =	seq.s32 @!p0 s5, $0x0  }
0x1f: {  	s9 =	smul.u32 $0xF7A, s1;
	s8 =	simm.s32 @!p0 $0x1BF5;
	p2 =	por !p2, p0  }
0x20: {  	[sflag:s8] =	ssyncset.s32 @!p0 $0xFFFFF086;
	s6 =	sadd.s32 @!p0 s3, s7;
	s7 =	simm.s32 @!p0 $0x108  }
0x21: {  	s3 =	sadd.s32 s3, s9;
	s6 =	sadd.s32 @!p0 $0x88, s6;
	s7 =	simm.s32 @p2 $0x1082  }
0x22: {  	[simem:s7], [sflag:s8] =	dma.local @!p0 [hbm:s6], $0xF7A  }
0x23: {  	s9 =	sor.u32 $0xD0000000, s2;
	s6 =	simm.s32 $0x108;
	_ =	swait.ge @!p0 [sflag:s8], $0x0  }
0x24: {  	s3 =	sadd.s32 $0x88, s3;
	s6 =	simm.s32 @!p1 $0x1082;
	[sflag:s4] =	ssyncset.s32 $0xFFFFF086  }
0x25: {  	[simem:s6], [sflag:s4] =	dma.local [hbm:s3], $0xF7A  }
0x26: {  	[smem:$0x3F96] =	sst s1;
	(tag) =	ssettag s2;
	_ =	strace s9  }
0x27: {  	s1 =	sld [smem:$0x3FA6]  }
0x28: {  	s2 =	sld [smem:$0x3FA7]  }
0x29: {  	s4 =	sld [smem:$0x3FA9]  }
0x2a: {  	p0 =	seq.s32 s5, $0x0;
	s5 =	sld [smem:$0x3FAA]  }
0x2b: {  	s6 =	sld [smem:$0x3FAB]  }
0x2c: {  	s7 =	sld [smem:$0x3FAC]  }
0x2d: {  	s3 =	simm.s32 $0x108;
	s8 =	sld [smem:$0x3FAD]  }
0x2e: {  	s3 =	simm.s32 @!p0 $0x1082;
	s9 =	sld [smem:$0x3FAE]  }
0x2f: {  	lr =	sadd.s32 s0, s3;
	s0 =	sld [smem:$0x3FA5]  }
0x30: {  	s3 =	sld [smem:$0x3FA8]  }
0x31: {  	[smem:$0x3FB1] =	sst s10  }
0x32: {  	s10 =	sld [smem:$0x3FAF];
	_ =	sdelay $0x3  }
0x33: {  	p0 =	seq.s32 s10, $0x1;
	s10 =	sld [smem:$0x3FB1];
	_ =	sdelay $0x3  }
0x34: {  	[smem:$0x3FB1] =	sst s10  }
0x35: {  	s10 =	sld [smem:$0x3FB0];
	_ =	sdelay $0x3  }
0x36: {  	p1 =	seq.s32 s10, $0x1;
	s10 =	sld [smem:$0x3FB1];
	_ =	sdelay $0x3  }
0x37: {  	[smem:$0x3FB1] =	sst s10  }
0x38: {  	s10 =	sld [smem:$0x3FB2]  }
0x39: {  	_ = 	snop;
	(pc) =	sbr.ind lr, $3  }
0x3a: {  	_ = 	snop  }
0x3b: {  	_ = 	snop  }
0x3c: {  	p2 =	seq.s32 s10, $0x1;
	s10 =	sld [smem:$0x3FB1]  }
0x3d: {  	_ =	shalt  }
0x3e: {  	_ =	shalt  }
0x3f: {  	_ =	shalt  }
0x40: {  	_ =	shalt  }
0x41: {  	_ =	shalt  }
0x42: {  	_ =	shalt  }
0x43: {  	_ =	shalt  }
0x44: {  	_ =	shalt  }
0x45: {  	_ =	shalt  }
0x46: {  	_ =	shalt  }
0x47: {  	_ =	shalt  }
0x48: {  	_ =	shalt  }
0x49: {  	_ =	shalt  }
0x4a: {  	_ =	shalt  }
0x4b: {  	_ =	shalt  }
0x4c: {  	_ =	shalt  }
0x4d: {  	_ =	shalt  }
0x4e: {  	_ =	shalt  }
0x4f: {  	_ =	shalt  }
0x50: {  	_ =	shalt  }
0x51: {  	_ =	shalt  }
0x52: {  	_ =	shalt  }
0x53: {  	_ =	shalt  }
0x54: {  	_ =	shalt  }
0x55: {  	_ =	shalt  }
0x56: {  	_ =	shalt  }
0x57: {  	_ =	shalt  }
0x58: {  	_ =	shalt  }
0x59: {  	_ =	shalt  }
0x5a: {  	_ =	shalt  }
0x5b: {  	_ =	shalt  }
0x5c: {  	_ =	shalt  }
0x5d: {  	_ =	shalt  }
0x5e: {  	_ =	shalt  }
0x5f: {  	_ =	shalt  }
0x60: {  	_ =	shalt  }
0x61: {  	_ =	shalt  }
0x62: {  	_ =	shalt  }
0x63: {  	_ =	shalt  }
0x64: {  	_ =	shalt  }
0x65: {  	_ =	shalt  }
0x66: {  	_ =	shalt  }
0x67: {  	_ =	shalt  }
0x68: {  	_ =	shalt  }
0x69: {  	_ =	shalt  }
0x6a: {  	_ =	shalt  }
0x6b: {  	_ =	shalt  }
0x6c: {  	_ =	shalt  }
0x6d: {  	_ =	shalt  }
0x6e: {  	_ =	shalt  }
0x6f: {  	_ =	shalt  }
0x70: {  	_ =	shalt  }
0x71: {  	_ =	shalt  }
0x72: {  	_ =	shalt  }
0x73: {  	_ =	shalt  }
0x74: {  	_ =	shalt  }
0x75: {  	_ =	shalt  }
0x76: {  	_ =	shalt  }
0x77: {  	_ =	shalt  }
0x78: {  	_ =	shalt  }
0x79: {  	_ =	shalt  }
0x7a: {  	_ =	shalt  }
0x7b: {  	_ =	shalt  }
0x7c: {  	_ =	shalt  }
0x7d: {  	_ =	shalt  }
0x7e: {  	_ =	shalt  }
0x7f: {  	_ =	shalt  }
0x80: {  	_ =	shalt  }
0x81: {  	_ =	shalt  }
0x82: {  	_ =	shalt  }
0x83: {  	_ =	shalt  }
0x84: {  	_ =	shalt  }
0x85: {  	_ =	shalt  }
0x86: {  	_ =	shalt  }
0x87: {  	_ =	shalt  }
.Lfunc_end0:
.L_simem_size_0:
called_computation.1_lowered:
.L_overlay_start_0:
0x88: {  	s2 =	sld [smem:$0x3FD9]  }
0x89: {  	s3 =	sld [smem:$0x3FFE];
	_ =	sdelay $0x1  }
0x8a: {  	s1 =	srdreg.scid  }
0x8b: {  	s0 =	sand.u32 $0x1, s1  }
0x8c: {  	s17 =	sshll.u32 s0, $0xA;
	s2 =	sadd.s32 s3, s2  }
0x8d: {  	s2 =	sadd.s32 s2, s17  }
0x8e: {  	[smem:$0x3FBD] =	sst s2  }
0x8f: {  	_ = 	snop  }
0x90: {  	s2 =	sld [smem:$0x3FD0];
	(tm) =	ssettm $0x1  }
0x91: {  	s18 =	sld [smem:$0x3FFB];
	_ =	sdelay $0x3  }
0x92: {  	_ =	strace s18  }
0x93: {  	s3 =	sld [smem:$0x3FFC];
	_ =	sdelay $0x3  }
0x94: {  	_ =	strace s3  }
0x95: {  	s3 =	sld [smem:$0x3FFD];
	_ =	sdelay $0x3  }
0x96: {  	_ =	strace s3  }
0x97: {  	_ =	strace $0x8FFFFFFF  }
0x98: {  	s19 =	sld [smem:$0x3FDB];
	_ =	sdelay $0x1  }
0x99: {  	s4 =	simm.s32 $_scs_section_size  }
0x9a: {  	s5 =	simm.s32 $_size__tile_overlayer_lowered;
	s6 =	simm.s32 $_tile_overlayer_lowered  }
0x9b: {  	s22 =	simm.s32 $0x1BFF;
	s21 =	sshll.u32 s6, $0x1;
	s3 =	sadd.s32 s4, s19  }
0x9c: {  	s7 =	simm.s32 $0x0;
	s20 =	sshll.u32 s5, $0x1;
	s5 =	sadd.s32 s21, s3  }
0x9d: {  	[timem:s7], [sflag:s22] =	dma.local [hbm:s5], s20  }
0x9e: {  	_ =	swait.ge [sflag:s22], s20  }
0x9f: {  	s4 =	ssub.s32 $0x0, s20;
	[sflag:s22] =	ssyncset.done $0x0  }
0xa0: {  	[sflag:s22] =	ssyncadd.s32 s4;
	_ =	sdelay $0x1  }
0xa1: {  	s23 =	simm.s32 $0x1B8B  }
0xa2: {  	_ =	swait.ge [sflag:s23], $0x1  }
0xa3: {  	[sflag:s23] =	ssyncset.done $0x0  }
0xa4: {  	s25 =	simm.s32 $0x1B8E;
	s24 =	sld [smem:$0x3FFE];
	[sflag:s23] =	ssyncadd.s32 $0xFFFFFFFF  }
0xa5: {  	s26 =	simm.s32 $execute0_lowered;
	[smem:$0x3FD2] =	sst s25  }
0xa6: {  	s5 =	sshll.u32 s26, $0x1;
	_ =	strace $0x80000049;
	[dreg:$0x1] =	wrdreg $0xFFFFFFFF  }
0xa7: {  	s28 =	simm.s32 $_size_execute0_lowered;
	s3 =	sadd.s32 s3, s5;
	[dreg:$0x0] =	wrdreg $0x0  }
0xa8: {  	s5 =	sshll.u32 s28, $0x1;
	[dreg:$0x2] =	wrdreg s3  }
0xa9: {  	[dreg:$0x3] =	wrdreg s5  }
0xaa: {  	[dreg:$0x4] =	wrdreg $0xC0  }
0xab: {  	_ =	task [dreg:s7], $0x5FFFF  }
0xac: {  	[dreg:$0x1] =	wrdreg $0xFFFFFFFF  }
0xad: {  	[dreg:$0x0] =	wrdreg $0x60  }
0xae: {  	[dreg:$0x2] =	wrdreg s24  }
0xaf: {  	[dreg:$0x3] =	wrdreg s2  }
0xb0: {  	[dreg:$0x4] =	wrdreg $0x55C00  }
0xb1: {  	[dreg:$0x5] =	wrdreg $0x4D800  }
0xb2: {  	[dreg:$0x6] =	wrdreg $0x9  }
0xb3: {  	_ =	task.clear_ibuf [dreg:s7], $0x7FFFF;
	_ =	strace $0x90000049  }
0xb4: {  	s29 =	simm.s32 $0x9;
	_ =	strace $0x8000004B  }
0xb5: {  	_ =	swait.ge [sflag:s29], $0x1  }
0xb6: {  	[sflag:s29] =	ssyncadd.s32 $0xFFFFFFFF  }
0xb7: {  	_ =	strace $0x9000004B  }
0xb8: {  	_ =	sfence  }
0xb9: {  	s30 =	sld [smem:$0x0];
	_ =	sdelay $0x2  }
0xba: {  	s31 =	sshll.u32 s1, $0xD;
	s1 =	sshrl.u32 s1, $0x2  }
0xbb: {  	s3 =	sand.u32 $0x4000, s31;
	s1 =	sadd.s32 s1, s30  }
0xbc: {  	s0 =	sor.u32 s3, s0;
	s1 =	sshll.u32 s1, $0x11  }
0xbd: {  	s0 =	sor.u32 s1, s0  }
0xbe: {  	s0 =	sadd.s32 $0x8F2B, s0  }
0xbf: {  	[sflag:s0] =	ssyncadd.remote.s32 $0x1  }
0xc0: {  	_ =	sfence.sel $0xFFFF  }
0xc1: {  	[dreg:$0x0] =	wrdreg $0xFFFFFFFF;
	(pc) =	sbr.abs _section_cstart, $3  }
0xc2: {  	[dreg:$0x1] =	wrdreg $0xFFFFFFFF  }
0xc3: {  	_ =	task.clear_ibuf [dreg:s7], $0x2FFFF;
	_ =	strace $0x9FFFFFFF  }
0xc4: {  	(tm) =	ssettm $0x7FFFFFFF  }
0xc5: {  	_ =	shalt  }
tec
execute0_lowered:
.L_overlay_start_1:
0x0: {  	(tag) =	ssettag $0x1  }
0x1: {  	s8 =	rddreg [dreg:$0x0]  }
0x2: {  	s12 =	rddreg [dreg:$0x1]  }
0x3: {  	s1 =	rddreg [dreg:$0x2]  }
0x4: {  	s2 =	rddreg [dreg:$0x3]  }
0x5: {  	s3 =	srdreg.scid;
	s0 =	rddreg [dreg:$0x4]  }
0x6: {  	s4 =	simm.s32 $0x0;
	s15 =	simm.s32 $0x2;
	s16 =	simm.s32 $0x4D00  }
0x7: {  	s17 =	simm.s32 $0x4100;
	s18 =	simm.s32 $0x80;
	s19 =	simm.s32 $0x100  }
0x8: {  	s20 =	simm.s32 $0x1;
	s21 =	simm.s32 $0x10;
	s22 =	simm.s32 $0x0  }
0x9: {  	s9 =	sand.u32 $0x1, s3;
	s3 =	stileid.u32;
	[smem:$0x7FF] =	sst s4  }
0xa: {  	s5 =	sadd.s32 $0x82A00, s8;
	s6 =	sadd.s32 $0x2200, s8;
	s7 =	smul.u32 $0x13C000, s9  }
0xb: {  	s10 =	smul.u32 $0x13C00, s3;
	_ =	strace $0x8000004A;
	s11 =	ssub.s32 $0x2, s9  }
0xc: {  	s13 =	smul.u32 $0x4F000, s3;
	s30 =	sshll.u32 s3, $0x8;
	s31 =	sshll.u32 s9, $0x7  }
0xd: {  	p0 =	slt.u32 s3, $0x2;
	s9 =	simm.s32 $0x4F;
	s14 =	sshrl.u32 s11, $0x1  }
0xe: {  	s9 =	simm.s32 @!p0 $0x4E;
	s10 =	sadd.s32 s10, s7;
	s7 =	sadd.s32 $0xC000, s8  }
0xf: {  	s11 =	ssub.s32 s11, s14;
	s29 =	sshrl.u32 s13, $0x2;
	s13 =	sor.u32 s31, s30  }
0x10: {  	s14 =	simm.s32 $0x4900;
	s10 =	sshrl.u32 s10, $0x3;
	s13 =	sshrl.u32 s13, $0x3  }
0x11: {  	s11 =	smax.u32 s11, $0x1;
	s10 =	sadd.s32 s10, s8;
	s8 =	sadd.s32 s29, s1  }
0x12: {  	v0 =	vimm.f32 $0.0e+00;
	s12 =	sadd.s32 s13, s12;
	s13 =	sadd.s32 s13, s6;
	s10 =	sadd.s32 $0xAA400, s10  }
.LBB2_1:
0x13: {  	[tilespmem:s14], [sflag:$0x2] =	stream.linear.gather [hbm4b:s7+s4], $0x400, $0x38;
	[tilespmem:$0x191C0] =	vst v63  }
0x14: {  	_ =	swait.ge [sflag:s15], $0x400  }
0x15: {  	[sflag:s15] =	ssyncset.done $0x0  }
0x16: {  	[sflag:s15] =	ssyncadd.s32 $0xFFFFFC00  }
0x17: {  	[tilespmem:s16], [sflag:$0x2] =	stream.linear.gather [hbm4b:s6+s4], $0x10, $0x38;
	[tilespmem:$0x191C0] =	vst v63  }
0x18: {  	_ =	swait.ge [sflag:s15], $0x10  }
0x19: {  	[sflag:s15] =	ssyncset.done $0x0  }
0x1a: {  	s23 =	simm.s32 $0x0;
	s24 =	simm.s32 $0x0;
	[sflag:s15] =	ssyncadd.s32 $0xFFFFFFF0  }
.LBB2_2:
0x1b: {  	p0 =	sne.s32 s24, $0x1FC0  }
.Ltmp0:
0x1c: {  	_ = 	snop;
	(pc) =	sbr.rel @p0 .LBB2_2-.Ltmp0, $4  }
0x1d: {  	s25 =	sand.u32 $0x1E00, s24  }
0x1e: {  	s26 =	sand.u32 $0x70, s23;
	s25 =	sshrl.u32 s25, $0x2  }
0x1f: {  	s25 =	sor.u32 s26, s25  }
0x20: {  	s23 =	sadd.s32 $0x10, s23;
	s24 =	sadd.s32 $0x40, s24;
	[tilespmem:s25+$0x4100] =	vst v0  }
0x21: {  	s23 =	sadd.s32 $0x0, s8  }
0x22: {  	[spmem:s23] =	stream.linear.scatter [tilespmem:s17], [sflag:$0x2], $0x800, $0x38;
	[tilespmem:$0x191C0] =	vst v63  }
0x23: {  	s23 =	simm.s32 $0x2000;
	_ =	swait.ge [sflag:s15], $0x800  }
.LBB2_4:
0x24: {  	s24 =	sshra.s32 s23, $0x2;
	[sflag:s15] =	ssyncset.done $0x0;
	p0 =	sne.s32 s23, $0x4C000  }
.Ltmp1:
0x25: {  	s24 =	sadd.s32 s24, s8;
	[sflag:s15] =	ssyncadd.s32 $0xFFFFF800;
	(pc) =	sbr.rel @p0 .LBB2_4-.Ltmp1, $3  }
0x26: {  	[spmem:s24] =	stream.linear.scatter [tilespmem:s17], [sflag:$0x2], $0x800, $0x38;
	[tilespmem:$0x191C0] =	vst v63  }
0x27: {  	s23 =	sadd.s32 $0x2000, s23;
	_ =	sdelay $0x1  }
0x28: {  	_ =	swait.ge [sflag:s15], $0x800  }
0x29: {  	[sflag:s15] =	ssyncset.done $0x0  }
0x2a: {  	[sflag:s15] =	ssyncadd.s32 $0xFFFFF800  }
0x2b: {  	[spmem:s2] =	stream.linear.scatter [tilespmem:s17], [sflag:$0x2], $0x800, $0x38;
	[tilespmem:$0x191C0] =	vst v63  }
0x2c: {  	_ =	swait.ge [sflag:s15], $0x800  }
0x2d: {  	[sflag:s15] =	ssyncset.done $0x0  }
0x2e: {  	[sflag:s15] =	ssyncadd.s32 $0xFFFFF800  }
0x2f: {  	[bflag:$0x0] =	sbarrier.arrive $0xFFFF  }
0x30: {  	[tilespmem:s4], [sflag:$0x2] =	stream.linear.gather [hbm4b:s13+s4], $0x80, $0x38;
	[tilespmem:$0x191C0] =	vst v63  }
0x31: {  	_ =	swait.ge [sflag:s15], $0x80  }
0x32: {  	[sflag:s15] =	ssyncset.done $0x0  }
0x33: {  	[sflag:s15] =	ssyncadd.s32 $0xFFFFFF80  }
0x34: {  	[tilespmem:s18], [sflag:$0x2] =	stream.linear.gather [hbm4b:s12+s4], $0x80, $0x38;
	[tilespmem:$0x191C0] =	vst v63  }
0x35: {  	_ =	swait.ge [sflag:s15], $0x80  }
0x36: {  	[sflag:s15] =	ssyncset.done $0x0  }
0x37: {  	[sflag:s15] =	ssyncadd.s32 $0xFFFFFF80  }
0x38: {  	[tilespmem:s19], [sflag:$0x1] =	stream.indirect.gather [hbm4b:s5+s18], $0x80, s4, s18, $0xb8;
	[tilespmem:$0x191C0] =	vst v63  }
0x39: {  	p0 =	sne.s32 s9, $0x1;
	_ =	swait.ge [sflag:s20], $0x4000  }
.Ltmp2:
0x3a: {  	[sflag:s20] =	ssyncset.done $0x0;
	(pc) =	sbr.rel @!p0 .LBB2_7-.Ltmp2, $4  }
0x3b: {  	[sflag:s20] =	ssyncadd.s32 $0xFFFFC000  }
0x3c: {  	[spmem:s1] =	stream.indirect.scatter.add.f32 [tilespmem:s19], [sflag:$0x2], $0x80, s18, s18, $0xb8;
	[tilespmem:$0x191C0] =	vst v63  }
0x3d: {  	s23 =	sadd.s32 $0xFFFFFFFF, s9;
	_ =	swait.ge [sflag:s15], $0x4000  }
0x3e: {  	s24 =	smov.u32 s12;
	s25 =	smov.u32 s13;
	[sflag:s15] =	ssyncset.done $0x0  }
.LBB2_6:
0x3f: {  	[sflag:s15] =	ssyncadd.s32 $0xFFFFC000;
	s24 =	sadd.s32 $0x200, s24;
	s25 =	sadd.s32 $0x200, s25  }
0x40: {  	[tilespmem:s4], [sflag:$0x2] =	stream.linear.gather [hbm4b:s25+s4], $0x80, $0x38;
	[tilespmem:$0x191C0] =	vst v63  }
0x41: {  	p0 =	sne.s32 s23, $0x1;
	s23 =	sadd.s32 $0xFFFFFFFF, s23;
	_ =	swait.ge [sflag:s15], $0x80  }
0x42: {  	[sflag:s15] =	ssyncset.done $0x0  }
0x43: {  	[sflag:s15] =	ssyncadd.s32 $0xFFFFFF80  }
0x44: {  	[tilespmem:s18], [sflag:$0x2] =	stream.linear.gather [hbm4b:s24+s4], $0x80, $0x38;
	[tilespmem:$0x191C0] =	vst v63  }
0x45: {  	_ =	swait.ge [sflag:s15], $0x80  }
0x46: {  	[sflag:s15] =	ssyncset.done $0x0  }
0x47: {  	[sflag:s15] =	ssyncadd.s32 $0xFFFFFF80  }
0x48: {  	[tilespmem:s19], [sflag:$0x1] =	stream.indirect.gather [hbm4b:s5+s18], $0x80, s4, s18, $0xb8;
	[tilespmem:$0x191C0] =	vst v63  }
0x49: {  	_ =	swait.ge [sflag:s20], $0x4000  }
.Ltmp3:
0x4a: {  	[sflag:s20] =	ssyncset.done $0x0;
	(pc) =	sbr.rel @p0 .LBB2_6-.Ltmp3, $4  }
0x4b: {  	[sflag:s20] =	ssyncadd.s32 $0xFFFFC000  }
0x4c: {  	[spmem:s1] =	stream.indirect.scatter.add.f32 [tilespmem:s19], [sflag:$0x2], $0x80, s18, s18, $0xb8;
	[tilespmem:$0x191C0] =	vst v63  }
0x4d: {  	_ =	swait.ge [sflag:s15], $0x4000  }
0x4e: {  	[sflag:s15] =	ssyncset.done $0x0  }
.LBB2_7:
0x4f: {  	[sflag:s15] =	ssyncadd.s32 $0xFFFFC000  }
0x50: {  	[bflag:$0x0] =	sbarrier.arrive $0xFFFF  }
0x51: {  	[spmem:s1] =	stream.indirect.scatter.add.f32 [tilespmem:s17], [sflag:$0x2], $0x80, s16, s21, $0xb8;
	[tilespmem:$0x191C0] =	vst v63  }
0x52: {  	_ =	swait.ge [sflag:s15], $0x800  }
0x53: {  	s23 =	sshll.u32 s3, $0x6;
	s22 =	sadd.s32 $0x1, s22;
	[sflag:s15] =	ssyncset.done $0x0  }
0x54: {  	s24 =	sshrl.u32 s8, $0x3;
	p0 =	sne.s32 s22, s11;
	[sflag:s15] =	ssyncadd.s32 $0xFFFFF800  }
.Ltmp4:
0x55: {  	s23 =	sor.u32 $0x1C02, s23;
	[bflag:$0x0] =	sbarrier.arrive $0xFFFF;
	(pc) =	sbr.rel @p0 .LBB2_1-.Ltmp4, $4  }
0x56: {  	[hbm:s10], [sflag:s23] =	dma.local [spmem:s24], $0x2780  }
0x57: {  	_ =	swait.ge [sflag:s15], $0x2780  }
0x58: {  	[sflag:s15] =	ssyncset.done $0x0  }
0x59: {  	[sflag:s15] =	ssyncadd.s32 $0xFFFFD880  }
0x5a: {  	_ =	sfence.sel $0x180000  }
0x5b: {  	[bflag:$0x0] =	sbarrier.arrive $0xFFFF  }
0x5c: {  	p0 =	sne.s32 s3, $0x0;
	_ =	strace $0x9000004A  }
0x5d: {  	s0 =	sadd.s32 @!p0 $0x100000, s0;
	[bflag:$0x2] =	sbarrier.arrive $0xFFFF  }
0x5e: {  	[sflag:s0] =	ssyncadd.tile.s32 @!p0 $0x1;
	_ =	shalt  }
.Lfunc_end2:
_tile_overlayer_lowered:
.L_overlay_start_2:
0x5f: {  	(tag) =	ssettag $0x2  }
0x60: {  	s0 =	rddreg [dreg:$0x0];
	s2 =	stileid.u32  }
0x61: {  	s1 =	rddreg [dreg:$0x1];
	p0 =	sne.s32 s2, $0x0  }
0x62: {  	s3 =	rddreg [dreg:$0x2];
	[bflag:$0x3] =	sbarrier.arrive $0xFFFF;
	s2 =	simm.s32 @!p0 $0x1C02  }
0x63: {  	[timem:s3], [sflag:s2] =	dma.local @!p0 [hbm:s0], s1  }
0x64: {  	s0 =	simm.s32 @!p0 $0x2  }
0x65: {  	_ =	swait.ge @!p0 [sflag:s0], s1  }
0x66: {  	s1 =	ssub.s32 @!p0 $0x0, s1;
	[sflag:s0] =	ssyncset.done @!p0 $0x0  }
0x67: {  	[sflag:s0] =	ssyncadd.s32 @!p0 s1  }
0x68: {  	[bflag:$0x3] =	sbarrier.arrive $0xFFFF  }
0x69: {  	_ =	shalt  }

// kernel: kernel.15.cloned.1.call-start
scs
__scs_entry_jumppad:
0x0: {  	(pc) =	sbr.rel $0x88, $3  }
0x1: {  	(tag) =	ssettag $0x0;
	lr =	simm.s32 $0x1  }
0x2: {  	[smem:$0x3F96] =	sst lr;
	_ =	strace $0xD0000000  }
0x3: {  	_ = 	snop  }
0x4: {  	_ = 	snop  }
0x5: {  	_ = 	snop  }
0x6: {  	_ = 	snop  }
0x7: {  	_ = 	snop  }
__scs_overlays_trampoline_lowered:
0x8: {  	[smem:$0x3FA5] =	sst s0  }
0x9: {  	[smem:$0x3FA6] =	sst s1  }
0xa: {  	[smem:$0x3FA7] =	sst s2  }
0xb: {  	[smem:$0x3FA8] =	sst s3  }
0xc: {  	[smem:$0x3FA9] =	sst s4  }
0xd: {  	[smem:$0x3FAA] =	sst s5  }
0xe: {  	[smem:$0x3FAB] =	sst s6  }
0xf: {  	[smem:$0x3FAC] =	sst s7  }
0x10: {  	[smem:$0x3FAD] =	sst s8  }
0x11: {  	[smem:$0x3FAE] =	sst s9;
	s0 =	simm.s32 @!p0 $0x0  }
0x12: {  	s1 =	sld [smem:$0x3F94];
	s0 =	simm.s32 @p0 $0x1  }
0x13: {  	[smem:$0x3FAF] =	sst s0;
	s0 =	simm.s32 @!p1 $0x0  }
0x14: {  	s2 =	sld [smem:$0x3F93];
	s0 =	simm.s32 @p1 $0x1  }
0x15: {  	[smem:$0x3FB0] =	sst s0;
	s0 =	simm.s32 @!p2 $0x0  }
0x16: {  	s3 =	sld [smem:$0x3FDB];
	s0 =	simm.s32 @p2 $0x1  }
0x17: {  	s4 =	simm.s32 $0x1BF5;
	[smem:$0x3FB2] =	sst s0  }
0x18: {  	s0 =	sld [smem:$0x3F95];
	_ =	swait.ge [sflag:s4], $0x0  }
0x19: {  	s7 =	sld [smem:$0x3F96]  }
0x1a: {  	s8 =	sadd.s32 $0xFFFFE003, lr  }
0x1b: {  	s9 =	sadd.s32 $0xFFFFFEF7, lr;
	s5 =	simm.s32 $0xFFFFFFFF;
	p2 =	slt.u32 s8, $0xFFFFF086  }
0x1c: {  	p1 =	slt.u32 s9, $0xF7A;
	s5 =	simm.s32 @!p2 $0x0  }
0x1d: {  	s5 =	simm.s32 @p1 $0x1;
	p0 =	seq.s32 s7, s2  }
0x1e: {  	s7 =	smul.u32 @!p0 $0xF7A, s2;
	p2 =	seq.s32 @!p0 s5, $0x0  }
0x1f: {  	s9 =	smul.u32 $0xF7A, s1;
	s8 =	simm.s32 @!p0 $0x1BF5;
	p2 =	por !p2, p0  }
0x20: {  	[sflag:s8] =	ssyncset.s32 @!p0 $0xFFFFF086;
	s6 =	sadd.s32 @!p0 s3, s7;
	s7 =	simm.s32 @!p0 $0x108  }
0x21: {  	s3 =	sadd.s32 s3, s9;
	s6 =	sadd.s32 @!p0 $0x88, s6;
	s7 =	simm.s32 @p2 $0x1082  }
0x22: {  	[simem:s7], [sflag:s8] =	dma.local @!p0 [hbm:s6], $0xF7A  }
0x23: {  	s9 =	sor.u32 $0xD0000000, s2;
	s6 =	simm.s32 $0x108;
	_ =	swait.ge @!p0 [sflag:s8], $0x0  }
0x24: {  	s3 =	sadd.s32 $0x88, s3;
	s6 =	simm.s32 @!p1 $0x1082;
	[sflag:s4] =	ssyncset.s32 $0xFFFFF086  }
0x25: {  	[simem:s6], [sflag:s4] =	dma.local [hbm:s3], $0xF7A  }
0x26: {  	[smem:$0x3F96] =	sst s1;
	(tag) =	ssettag s2;
	_ =	strace s9  }
0x27: {  	s1 =	sld [smem:$0x3FA6]  }
0x28: {  	s2 =	sld [smem:$0x3FA7]  }
0x29: {  	s4 =	sld [smem:$0x3FA9]  }
0x2a: {  	p0 =	seq.s32 s5, $0x0;
	s5 =	sld [smem:$0x3FAA]  }
0x2b: {  	s6 =	sld [smem:$0x3FAB]  }
0x2c: {  	s7 =	sld [smem:$0x3FAC]  }
0x2d: {  	s3 =	simm.s32 $0x108;
	s8 =	sld [smem:$0x3FAD]  }
0x2e: {  	s3 =	simm.s32 @!p0 $0x1082;
	s9 =	sld [smem:$0x3FAE]  }
0x2f: {  	lr =	sadd.s32 s0, s3;
	s0 =	sld [smem:$0x3FA5]  }
0x30: {  	s3 =	sld [smem:$0x3FA8]  }
0x31: {  	[smem:$0x3FB1] =	sst s10  }
0x32: {  	s10 =	sld [smem:$0x3FAF];
	_ =	sdelay $0x3  }
0x33: {  	p0 =	seq.s32 s10, $0x1;
	s10 =	sld [smem:$0x3FB1];
	_ =	sdelay $0x3  }
0x34: {  	[smem:$0x3FB1] =	sst s10  }
0x35: {  	s10 =	sld [smem:$0x3FB0];
	_ =	sdelay $0x3  }
0x36: {  	p1 =	seq.s32 s10, $0x1;
	s10 =	sld [smem:$0x3FB1];
	_ =	sdelay $0x3  }
0x37: {  	[smem:$0x3FB1] =	sst s10  }
0x38: {  	s10 =	sld [smem:$0x3FB2]  }
0x39: {  	_ = 	snop;
	(pc) =	sbr.ind lr, $3  }
0x3a: {  	_ = 	snop  }
0x3b: {  	_ = 	snop  }
0x3c: {  	p2 =	seq.s32 s10, $0x1;
	s10 =	sld [smem:$0x3FB1]  }
0x3d: {  	_ =	shalt  }
0x3e: {  	_ =	shalt  }
0x3f: {  	_ =	shalt  }
0x40: {  	_ =	shalt  }
0x41: {  	_ =	shalt  }
0x42: {  	_ =	shalt  }
0x43: {  	_ =	shalt  }
0x44: {  	_ =	shalt  }
0x45: {  	_ =	shalt  }
0x46: {  	_ =	shalt  }
0x47: {  	_ =	shalt  }
0x48: {  	_ =	shalt  }
0x49: {  	_ =	shalt  }
0x4a: {  	_ =	shalt  }
0x4b: {  	_ =	shalt  }
0x4c: {  	_ =	shalt  }
0x4d: {  	_ =	shalt  }
0x4e: {  	_ =	shalt  }
0x4f: {  	_ =	shalt  }
0x50: {  	_ =	shalt  }
0x51: {  	_ =	shalt  }
0x52: {  	_ =	shalt  }
0x53: {  	_ =	shalt  }
0x54: {  	_ =	shalt  }
0x55: {  	_ =	shalt  }
0x56: {  	_ =	shalt  }
0x57: {  	_ =	shalt  }
0x58: {  	_ =	shalt  }
0x59: {  	_ =	shalt  }
0x5a: {  	_ =	shalt  }
0x5b: {  	_ =	shalt  }
0x5c: {  	_ =	shalt  }
0x5d: {  	_ =	shalt  }
0x5e: {  	_ =	shalt  }
0x5f: {  	_ =	shalt  }
0x60: {  	_ =	shalt  }
0x61: {  	_ =	shalt  }
0x62: {  	_ =	shalt  }
0x63: {  	_ =	shalt  }
0x64: {  	_ =	shalt  }
0x65: {  	_ =	shalt  }
0x66: {  	_ =	shalt  }
0x67: {  	_ =	shalt  }
0x68: {  	_ =	shalt  }
0x69: {  	_ =	shalt  }
0x6a: {  	_ =	shalt  }
0x6b: {  	_ =	shalt  }
0x6c: {  	_ =	shalt  }
0x6d: {  	_ =	shalt  }
0x6e: {  	_ =	shalt  }
0x6f: {  	_ =	shalt  }
0x70: {  	_ =	shalt  }
0x71: {  	_ =	shalt  }
0x72: {  	_ =	shalt  }
0x73: {  	_ =	shalt  }
0x74: {  	_ =	shalt  }
0x75: {  	_ =	shalt  }
0x76: {  	_ =	shalt  }
0x77: {  	_ =	shalt  }
0x78: {  	_ =	shalt  }
0x79: {  	_ =	shalt  }
0x7a: {  	_ =	shalt  }
0x7b: {  	_ =	shalt  }
0x7c: {  	_ =	shalt  }
0x7d: {  	_ =	shalt  }
0x7e: {  	_ =	shalt  }
0x7f: {  	_ =	shalt  }
0x80: {  	_ =	shalt  }
0x81: {  	_ =	shalt  }
0x82: {  	_ =	shalt  }
0x83: {  	_ =	shalt  }
0x84: {  	_ =	shalt  }
0x85: {  	_ =	shalt  }
0x86: {  	_ =	shalt  }
0x87: {  	_ =	shalt  }
.Lfunc_end0:
.L_simem_size_0:
called_computation.2_lowered:
.L_overlay_start_0:
0x88: {  	s2 =	sld [smem:$0x3FD9]  }
0x89: {  	s3 =	sld [smem:$0x3FFE];
	_ =	sdelay $0x1  }
0x8a: {  	s1 =	srdreg.scid  }
0x8b: {  	s0 =	sand.u32 $0x1, s1  }
0x8c: {  	s17 =	sshll.u32 s0, $0xA;
	s2 =	sadd.s32 s3, s2  }
0x8d: {  	s2 =	sadd.s32 s2, s17  }
0x8e: {  	[smem:$0x3FBD] =	sst s2  }
0x8f: {  	_ = 	snop  }
0x90: {  	s2 =	sld [smem:$0x3FD0];
	(tm) =	ssettm $0x1  }
0x91: {  	s18 =	sld [smem:$0x3FFB];
	_ =	sdelay $0x3  }
0x92: {  	_ =	strace s18  }
0x93: {  	s3 =	sld [smem:$0x3FFC];
	_ =	sdelay $0x3  }
0x94: {  	_ =	strace s3  }
0x95: {  	s3 =	sld [smem:$0x3FFD];
	_ =	sdelay $0x3  }
0x96: {  	_ =	strace s3  }
0x97: {  	_ =	strace $0x8FFFFFFF  }
0x98: {  	s19 =	sld [smem:$0x3FDB];
	_ =	sdelay $0x1  }
0x99: {  	s4 =	simm.s32 $_scs_section_size  }
0x9a: {  	s5 =	simm.s32 $_size__tile_overlayer_lowered;
	s6 =	simm.s32 $_tile_overlayer_lowered  }
0x9b: {  	s22 =	simm.s32 $0x1BFF;
	s21 =	sshll.u32 s6, $0x1;
	s3 =	sadd.s32 s4, s19  }
0x9c: {  	s7 =	simm.s32 $0x0;
	s20 =	sshll.u32 s5, $0x1;
	s5 =	sadd.s32 s21, s3  }
0x9d: {  	[timem:s7], [sflag:s22] =	dma.local [hbm:s5], s20  }
0x9e: {  	_ =	swait.ge [sflag:s22], s20  }
0x9f: {  	s4 =	ssub.s32 $0x0, s20;
	[sflag:s22] =	ssyncset.done $0x0  }
0xa0: {  	[sflag:s22] =	ssyncadd.s32 s4;
	_ =	sdelay $0x1  }
0xa1: {  	s23 =	simm.s32 $0x1B8B  }
0xa2: {  	_ =	swait.ge [sflag:s23], $0x1  }
0xa3: {  	[sflag:s23] =	ssyncset.done $0x0  }
0xa4: {  	s25 =	simm.s32 $0x1B8E;
	s24 =	sld [smem:$0x3FFE];
	[sflag:s23] =	ssyncadd.s32 $0xFFFFFFFF  }
0xa5: {  	s26 =	simm.s32 $execute0_lowered;
	[smem:$0x3FD2] =	sst s25  }
0xa6: {  	s5 =	sshll.u32 s26, $0x1;
	_ =	strace $0x8000004C;
	[dreg:$0x1] =	wrdreg $0xFFFFFFFF  }
0xa7: {  	s28 =	simm.s32 $_size_execute0_lowered;
	s3 =	sadd.s32 s3, s5;
	[dreg:$0x0] =	wrdreg $0x0  }
0xa8: {  	s5 =	sshll.u32 s28, $0x1;
	[dreg:$0x2] =	wrdreg s3  }
0xa9: {  	[dreg:$0x3] =	wrdreg s5  }
0xaa: {  	[dreg:$0x4] =	wrdreg $0xC0  }
0xab: {  	_ =	task [dreg:s7], $0x5FFFF  }
0xac: {  	[dreg:$0x1] =	wrdreg $0xFFFFFFFF  }
0xad: {  	[dreg:$0x0] =	wrdreg $0x60  }
0xae: {  	[dreg:$0x2] =	wrdreg s24  }
0xaf: {  	[dreg:$0x3] =	wrdreg s2  }
0xb0: {  	[dreg:$0x4] =	wrdreg $0x5DC00  }
0xb1: {  	[dreg:$0x5] =	wrdreg $0x4D800  }
0xb2: {  	[dreg:$0x6] =	wrdreg $0x9  }
0xb3: {  	_ =	task.clear_ibuf [dreg:s7], $0x7FFFF;
	_ =	strace $0x9000004C  }
0xb4: {  	s29 =	simm.s32 $0x9;
	_ =	strace $0x8000004E  }
0xb5: {  	_ =	swait.ge [sflag:s29], $0x1  }
0xb6: {  	[sflag:s29] =	ssyncadd.s32 $0xFFFFFFFF  }
0xb7: {  	_ =	strace $0x9000004E  }
0xb8: {  	_ =	sfence  }
0xb9: {  	s30 =	sld [smem:$0x0];
	_ =	sdelay $0x2  }
0xba: {  	s31 =	sshll.u32 s1, $0xD;
	s1 =	sshrl.u32 s1, $0x2  }
0xbb: {  	s3 =	sand.u32 $0x4000, s31;
	s1 =	sadd.s32 s1, s30  }
0xbc: {  	s0 =	sor.u32 s3, s0;
	s1 =	sshll.u32 s1, $0x11  }
0xbd: {  	s0 =	sor.u32 s1, s0  }
0xbe: {  	s0 =	sadd.s32 $0x8F2B, s0  }
0xbf: {  	[sflag:s0] =	ssyncadd.remote.s32 $0x1  }
0xc0: {  	_ =	sfence.sel $0xFFFF  }
0xc1: {  	[dreg:$0x0] =	wrdreg $0xFFFFFFFF;
	(pc) =	sbr.abs _section_cstart, $3  }
0xc2: {  	[dreg:$0x1] =	wrdreg $0xFFFFFFFF  }
0xc3: {  	_ =	task.clear_ibuf [dreg:s7], $0x2FFFF;
	_ =	strace $0x9FFFFFFF  }
0xc4: {  	(tm) =	ssettm $0x7FFFFFFF  }
0xc5: {  	_ =	shalt  }
tec
execute0_lowered:
.L_overlay_start_1:
0x0: {  	(tag) =	ssettag $0x1  }
0x1: {  	s8 =	rddreg [dreg:$0x0]  }
0x2: {  	s12 =	rddreg [dreg:$0x1]  }
0x3: {  	s1 =	rddreg [dreg:$0x2]  }
0x4: {  	s2 =	rddreg [dreg:$0x3]  }
0x5: {  	s3 =	srdreg.scid;
	s0 =	rddreg [dreg:$0x4]  }
0x6: {  	s4 =	simm.s32 $0x0;
	s15 =	simm.s32 $0x2;
	s16 =	simm.s32 $0x4D00  }
0x7: {  	s17 =	simm.s32 $0x4100;
	s18 =	simm.s32 $0x80;
	s19 =	simm.s32 $0x100  }
0x8: {  	s20 =	simm.s32 $0x1;
	s21 =	simm.s32 $0x10;
	s22 =	simm.s32 $0x0  }
0x9: {  	s9 =	sand.u32 $0x1, s3;
	s3 =	stileid.u32;
	[smem:$0x7FF] =	sst s4  }
0xa: {  	s5 =	sadd.s32 $0xC200, s8;
	s6 =	sadd.s32 $0x2200, s8;
	s7 =	smul.u32 $0x13C000, s9  }
0xb: {  	s10 =	smul.u32 $0x13C00, s3;
	_ =	strace $0x8000004D;
	s11 =	ssub.s32 $0x2, s9  }
0xc: {  	s13 =	smul.u32 $0x4F000, s3;
	s30 =	sshll.u32 s3, $0x8;
	s31 =	sshll.u32 s9, $0x7  }
0xd: {  	p0 =	slt.u32 s3, $0x2;
	s9 =	simm.s32 $0x4F;
	s14 =	sshrl.u32 s11, $0x1  }
0xe: {  	s9 =	simm.s32 @!p0 $0x4E;
	s10 =	sadd.s32 s10, s7;
	s7 =	sadd.s32 $0xC000, s8  }
0xf: {  	s11 =	ssub.s32 s11, s14;
	s29 =	sshrl.u32 s13, $0x2;
	s13 =	sor.u32 s31, s30  }
0x10: {  	s14 =	simm.s32 $0x4900;
	s10 =	sshrl.u32 s10, $0x3;
	s13 =	sshrl.u32 s13, $0x3  }
0x11: {  	s11 =	smax.u32 s11, $0x1;
	s10 =	sadd.s32 s10, s8;
	s8 =	sadd.s32 s29, s1  }
0x12: {  	v0 =	vimm.f32 $0.0e+00;
	s12 =	sadd.s32 s13, s12;
	s13 =	sadd.s32 s13, s6;
	s10 =	sadd.s32 $0xF9400, s10  }
.LBB2_1:
0x13: {  	[tilespmem:s14], [sflag:$0x2] =	stream.linear.gather [hbm4b:s7+s4], $0x400, $0x38;
	[tilespmem:$0x199C0] =	vst v63  }
0x14: {  	_ =	swait.ge [sflag:s15], $0x400  }
0x15: {  	[sflag:s15] =	ssyncset.done $0x0  }
0x16: {  	[sflag:s15] =	ssyncadd.s32 $0xFFFFFC00  }
0x17: {  	[tilespmem:s16], [sflag:$0x2] =	stream.linear.gather [hbm4b:s6+s4], $0x10, $0x38;
	[tilespmem:$0x199C0] =	vst v63  }
0x18: {  	_ =	swait.ge [sflag:s15], $0x10  }
0x19: {  	[sflag:s15] =	ssyncset.done $0x0  }
0x1a: {  	s23 =	simm.s32 $0x0;
	s24 =	simm.s32 $0x0;
	[sflag:s15] =	ssyncadd.s32 $0xFFFFFFF0  }
.LBB2_2:
0x1b: {  	p0 =	sne.s32 s24, $0x1FC0  }
.Ltmp0:
0x1c: {  	_ = 	snop;
	(pc) =	sbr.rel @p0 .LBB2_2-.Ltmp0, $4  }
0x1d: {  	s25 =	sand.u32 $0x1E00, s24  }
0x1e: {  	s26 =	sand.u32 $0x70, s23;
	s25 =	sshrl.u32 s25, $0x2  }
0x1f: {  	s25 =	sor.u32 s26, s25  }
0x20: {  	s23 =	sadd.s32 $0x10, s23;
	s24 =	sadd.s32 $0x40, s24;
	[tilespmem:s25+$0x4100] =	vst v0  }
0x21: {  	s23 =	sadd.s32 $0x0, s8  }
0x22: {  	[spmem:s23] =	stream.linear.scatter [tilespmem:s17], [sflag:$0x2], $0x800, $0x38;
	[tilespmem:$0x199C0] =	vst v63  }
0x23: {  	s23 =	simm.s32 $0x2000;
	_ =	swait.ge [sflag:s15], $0x800  }
.LBB2_4:
0x24: {  	s24 =	sshra.s32 s23, $0x2;
	[sflag:s15] =	ssyncset.done $0x0;
	p0 =	sne.s32 s23, $0x4C000  }
.Ltmp1:
0x25: {  	s24 =	sadd.s32 s24, s8;
	[sflag:s15] =	ssyncadd.s32 $0xFFFFF800;
	(pc) =	sbr.rel @p0 .LBB2_4-.Ltmp1, $3  }
0x26: {  	[spmem:s24] =	stream.linear.scatter [tilespmem:s17], [sflag:$0x2], $0x800, $0x38;
	[tilespmem:$0x199C0] =	vst v63  }
0x27: {  	s23 =	sadd.s32 $0x2000, s23;
	_ =	sdelay $0x1  }
0x28: {  	_ =	swait.ge [sflag:s15], $0x800  }
0x29: {  	[sflag:s15] =	ssyncset.done $0x0  }
0x2a: {  	[sflag:s15] =	ssyncadd.s32 $0xFFFFF800  }
0x2b: {  	[spmem:s2] =	stream.linear.scatter [tilespmem:s17], [sflag:$0x2], $0x800, $0x38;
	[tilespmem:$0x199C0] =	vst v63  }
0x2c: {  	_ =	swait.ge [sflag:s15], $0x800  }
0x2d: {  	[sflag:s15] =	ssyncset.done $0x0  }
0x2e: {  	[sflag:s15] =	ssyncadd.s32 $0xFFFFF800  }
0x2f: {  	[bflag:$0x0] =	sbarrier.arrive $0xFFFF  }
0x30: {  	[tilespmem:s4], [sflag:$0x2] =	stream.linear.gather [hbm4b:s13+s4], $0x80, $0x38;
	[tilespmem:$0x199C0] =	vst v63  }
0x31: {  	_ =	swait.ge [sflag:s15], $0x80  }
0x32: {  	[sflag:s15] =	ssyncset.done $0x0  }
0x33: {  	[sflag:s15] =	ssyncadd.s32 $0xFFFFFF80  }
0x34: {  	[tilespmem:s18], [sflag:$0x2] =	stream.linear.gather [hbm4b:s12+s4], $0x80, $0x38;
	[tilespmem:$0x199C0] =	vst v63  }
0x35: {  	_ =	swait.ge [sflag:s15], $0x80  }
0x36: {  	[sflag:s15] =	ssyncset.done $0x0  }
0x37: {  	[sflag:s15] =	ssyncadd.s32 $0xFFFFFF80  }
0x38: {  	[tilespmem:s19], [sflag:$0x1] =	stream.indirect.gather [hbm4b:s5+s18], $0x80, s4, s18, $0xb8;
	[tilespmem:$0x199C0] =	vst v63  }
0x39: {  	p0 =	sne.s32 s9, $0x1;
	_ =	swait.ge [sflag:s20], $0x4000  }
.Ltmp2:
0x3a: {  	[sflag:s20] =	ssyncset.done $0x0;
	(pc) =	sbr.rel @!p0 .LBB2_7-.Ltmp2, $4  }
0x3b: {  	[sflag:s20] =	ssyncadd.s32 $0xFFFFC000  }
0x3c: {  	[spmem:s1] =	stream.indirect.scatter.add.f32 [tilespmem:s19], [sflag:$0x2], $0x80, s18, s18, $0xb8;
	[tilespmem:$0x199C0] =	vst v63  }
0x3d: {  	s23 =	sadd.s32 $0xFFFFFFFF, s9;
	_ =	swait.ge [sflag:s15], $0x4000  }
0x3e: {  	s24 =	smov.u32 s12;
	s25 =	smov.u32 s13;
	[sflag:s15] =	ssyncset.done $0x0  }
.LBB2_6:
0x3f: {  	[sflag:s15] =	ssyncadd.s32 $0xFFFFC000;
	s24 =	sadd.s32 $0x200, s24;
	s25 =	sadd.s32 $0x200, s25  }
0x40: {  	[tilespmem:s4], [sflag:$0x2] =	stream.linear.gather [hbm4b:s25+s4], $0x80, $0x38;
	[tilespmem:$0x199C0] =	vst v63  }
0x41: {  	p0 =	sne.s32 s23, $0x1;
	s23 =	sadd.s32 $0xFFFFFFFF, s23;
	_ =	swait.ge [sflag:s15], $0x80  }
0x42: {  	[sflag:s15] =	ssyncset.done $0x0  }
0x43: {  	[sflag:s15] =	ssyncadd.s32 $0xFFFFFF80  }
0x44: {  	[tilespmem:s18], [sflag:$0x2] =	stream.linear.gather [hbm4b:s24+s4], $0x80, $0x38;
	[tilespmem:$0x199C0] =	vst v63  }
0x45: {  	_ =	swait.ge [sflag:s15], $0x80  }
0x46: {  	[sflag:s15] =	ssyncset.done $0x0  }
0x47: {  	[sflag:s15] =	ssyncadd.s32 $0xFFFFFF80  }
0x48: {  	[tilespmem:s19], [sflag:$0x1] =	stream.indirect.gather [hbm4b:s5+s18], $0x80, s4, s18, $0xb8;
	[tilespmem:$0x199C0] =	vst v63  }
0x49: {  	_ =	swait.ge [sflag:s20], $0x4000  }
.Ltmp3:
0x4a: {  	[sflag:s20] =	ssyncset.done $0x0;
	(pc) =	sbr.rel @p0 .LBB2_6-.Ltmp3, $4  }
0x4b: {  	[sflag:s20] =	ssyncadd.s32 $0xFFFFC000  }
0x4c: {  	[spmem:s1] =	stream.indirect.scatter.add.f32 [tilespmem:s19], [sflag:$0x2], $0x80, s18, s18, $0xb8;
	[tilespmem:$0x199C0] =	vst v63  }
0x4d: {  	_ =	swait.ge [sflag:s15], $0x4000  }
0x4e: {  	[sflag:s15] =	ssyncset.done $0x0  }
.LBB2_7:
0x4f: {  	[sflag:s15] =	ssyncadd.s32 $0xFFFFC000  }
0x50: {  	[bflag:$0x0] =	sbarrier.arrive $0xFFFF  }
0x51: {  	[spmem:s1] =	stream.indirect.scatter.add.f32 [tilespmem:s17], [sflag:$0x2], $0x80, s16, s21, $0xb8;
	[tilespmem:$0x199C0] =	vst v63  }
0x52: {  	_ =	swait.ge [sflag:s15], $0x800  }
0x53: {  	s23 =	sshll.u32 s3, $0x6;
	s22 =	sadd.s32 $0x1, s22;
	[sflag:s15] =	ssyncset.done $0x0  }
0x54: {  	s24 =	sshrl.u32 s8, $0x3;
	p0 =	sne.s32 s22, s11;
	[sflag:s15] =	ssyncadd.s32 $0xFFFFF800  }
.Ltmp4:
0x55: {  	s23 =	sor.u32 $0x1C02, s23;
	[bflag:$0x0] =	sbarrier.arrive $0xFFFF;
	(pc) =	sbr.rel @p0 .LBB2_1-.Ltmp4, $4  }
0x56: {  	[hbm:s10], [sflag:s23] =	dma.local [spmem:s24], $0x2780  }
0x57: {  	_ =	swait.ge [sflag:s15], $0x2780  }
0x58: {  	[sflag:s15] =	ssyncset.done $0x0  }
0x59: {  	[sflag:s15] =	ssyncadd.s32 $0xFFFFD880  }
0x5a: {  	_ =	sfence.sel $0x180000  }
0x5b: {  	[bflag:$0x0] =	sbarrier.arrive $0xFFFF  }
0x5c: {  	p0 =	sne.s32 s3, $0x0;
	_ =	strace $0x9000004D  }
0x5d: {  	s0 =	sadd.s32 @!p0 $0x100000, s0;
	[bflag:$0x2] =	sbarrier.arrive $0xFFFF  }
0x5e: {  	[sflag:s0] =	ssyncadd.tile.s32 @!p0 $0x1;
	_ =	shalt  }
.Lfunc_end2:
_tile_overlayer_lowered:
.L_overlay_start_2:
0x5f: {  	(tag) =	ssettag $0x2  }
0x60: {  	s0 =	rddreg [dreg:$0x0];
	s2 =	stileid.u32  }
0x61: {  	s1 =	rddreg [dreg:$0x1];
	p0 =	sne.s32 s2, $0x0  }
0x62: {  	s3 =	rddreg [dreg:$0x2];
	[bflag:$0x3] =	sbarrier.arrive $0xFFFF;
	s2 =	simm.s32 @!p0 $0x1C02  }
0x63: {  	[timem:s3], [sflag:s2] =	dma.local @!p0 [hbm:s0], s1  }
0x64: {  	s0 =	simm.s32 @!p0 $0x2  }
0x65: {  	_ =	swait.ge @!p0 [sflag:s0], s1  }
0x66: {  	s1 =	ssub.s32 @!p0 $0x0, s1;
	[sflag:s0] =	ssyncset.done @!p0 $0x0  }
0x67: {  	[sflag:s0] =	ssyncadd.s32 @!p0 s1  }
0x68: {  	[bflag:$0x3] =	sbarrier.arrive $0xFFFF  }
0x69: {  	_ =	shalt  }

// kernel: kernel.18.cloned.1.call-start
scs
__scs_entry_jumppad:
0x0: {  	(pc) =	sbr.rel $0x88, $3  }
0x1: {  	(tag) =	ssettag $0x0;
	lr =	simm.s32 $0x1  }
0x2: {  	[smem:$0x3F96] =	sst lr;
	_ =	strace $0xD0000000  }
0x3: {  	_ = 	snop  }
0x4: {  	_ = 	snop  }
0x5: {  	_ = 	snop  }
0x6: {  	_ = 	snop  }
0x7: {  	_ = 	snop  }
__scs_overlays_trampoline_lowered:
0x8: {  	[smem:$0x3FA5] =	sst s0  }
0x9: {  	[smem:$0x3FA6] =	sst s1  }
0xa: {  	[smem:$0x3FA7] =	sst s2  }
0xb: {  	[smem:$0x3FA8] =	sst s3  }
0xc: {  	[smem:$0x3FA9] =	sst s4  }
0xd: {  	[smem:$0x3FAA] =	sst s5  }
0xe: {  	[smem:$0x3FAB] =	sst s6  }
0xf: {  	[smem:$0x3FAC] =	sst s7  }
0x10: {  	[smem:$0x3FAD] =	sst s8  }
0x11: {  	[smem:$0x3FAE] =	sst s9;
	s0 =	simm.s32 @!p0 $0x0  }
0x12: {  	s1 =	sld [smem:$0x3F94];
	s0 =	simm.s32 @p0 $0x1  }
0x13: {  	[smem:$0x3FAF] =	sst s0;
	s0 =	simm.s32 @!p1 $0x0  }
0x14: {  	s2 =	sld [smem:$0x3F93];
	s0 =	simm.s32 @p1 $0x1  }
0x15: {  	[smem:$0x3FB0] =	sst s0;
	s0 =	simm.s32 @!p2 $0x0  }
0x16: {  	s3 =	sld [smem:$0x3FDB];
	s0 =	simm.s32 @p2 $0x1  }
0x17: {  	s4 =	simm.s32 $0x1BF5;
	[smem:$0x3FB2] =	sst s0  }
0x18: {  	s0 =	sld [smem:$0x3F95];
	_ =	swait.ge [sflag:s4], $0x0  }
0x19: {  	s7 =	sld [smem:$0x3F96]  }
0x1a: {  	s8 =	sadd.s32 $0xFFFFE003, lr  }
0x1b: {  	s9 =	sadd.s32 $0xFFFFFEF7, lr;
	s5 =	simm.s32 $0xFFFFFFFF;
	p2 =	slt.u32 s8, $0xFFFFF086  }
0x1c: {  	p1 =	slt.u32 s9, $0xF7A;
	s5 =	simm.s32 @!p2 $0x0  }
0x1d: {  	s5 =	simm.s32 @p1 $0x1;
	p0 =	seq.s32 s7, s2  }
0x1e: {  	s7 =	smul.u32 @!p0 $0xF7A, s2;
	p2 =	seq.s32 @!p0 s5, $0x0  }
0x1f: {  	s9 =	smul.u32 $0xF7A, s1;
	s8 =	simm.s32 @!p0 $0x1BF5;
	p2 =	por !p2, p0  }
0x20: {  	[sflag:s8] =	ssyncset.s32 @!p0 $0xFFFFF086;
	s6 =	sadd.s32 @!p0 s3, s7;
	s7 =	simm.s32 @!p0 $0x108  }
0x21: {  	s3 =	sadd.s32 s3, s9;
	s6 =	sadd.s32 @!p0 $0x88, s6;
	s7 =	simm.s32 @p2 $0x1082  }
0x22: {  	[simem:s7], [sflag:s8] =	dma.local @!p0 [hbm:s6], $0xF7A  }
0x23: {  	s9 =	sor.u32 $0xD0000000, s2;
	s6 =	simm.s32 $0x108;
	_ =	swait.ge @!p0 [sflag:s8], $0x0  }
0x24: {  	s3 =	sadd.s32 $0x88, s3;
	s6 =	simm.s32 @!p1 $0x1082;
	[sflag:s4] =	ssyncset.s32 $0xFFFFF086  }
0x25: {  	[simem:s6], [sflag:s4] =	dma.local [hbm:s3], $0xF7A  }
0x26: {  	[smem:$0x3F96] =	sst s1;
	(tag) =	ssettag s2;
	_ =	strace s9  }
0x27: {  	s1 =	sld [smem:$0x3FA6]  }
0x28: {  	s2 =	sld [smem:$0x3FA7]  }
0x29: {  	s4 =	sld [smem:$0x3FA9]  }
0x2a: {  	p0 =	seq.s32 s5, $0x0;
	s5 =	sld [smem:$0x3FAA]  }
0x2b: {  	s6 =	sld [smem:$0x3FAB]  }
0x2c: {  	s7 =	sld [smem:$0x3FAC]  }
0x2d: {  	s3 =	simm.s32 $0x108;
	s8 =	sld [smem:$0x3FAD]  }
0x2e: {  	s3 =	simm.s32 @!p0 $0x1082;
	s9 =	sld [smem:$0x3FAE]  }
0x2f: {  	lr =	sadd.s32 s0, s3;
	s0 =	sld [smem:$0x3FA5]  }
0x30: {  	s3 =	sld [smem:$0x3FA8]  }
0x31: {  	[smem:$0x3FB1] =	sst s10  }
0x32: {  	s10 =	sld [smem:$0x3FAF];
	_ =	sdelay $0x3  }
0x33: {  	p0 =	seq.s32 s10, $0x1;
	s10 =	sld [smem:$0x3FB1];
	_ =	sdelay $0x3  }
0x34: {  	[smem:$0x3FB1] =	sst s10  }
0x35: {  	s10 =	sld [smem:$0x3FB0];
	_ =	sdelay $0x3  }
0x36: {  	p1 =	seq.s32 s10, $0x1;
	s10 =	sld [smem:$0x3FB1];
	_ =	sdelay $0x3  }
0x37: {  	[smem:$0x3FB1] =	sst s10  }
0x38: {  	s10 =	sld [smem:$0x3FB2]  }
0x39: {  	_ = 	snop;
	(pc) =	sbr.ind lr, $3  }
0x3a: {  	_ = 	snop  }
0x3b: {  	_ = 	snop  }
0x3c: {  	p2 =	seq.s32 s10, $0x1;
	s10 =	sld [smem:$0x3FB1]  }
0x3d: {  	_ =	shalt  }
0x3e: {  	_ =	shalt  }
0x3f: {  	_ =	shalt  }
0x40: {  	_ =	shalt  }
0x41: {  	_ =	shalt  }
0x42: {  	_ =	shalt  }
0x43: {  	_ =	shalt  }
0x44: {  	_ =	shalt  }
0x45: {  	_ =	shalt  }
0x46: {  	_ =	shalt  }
0x47: {  	_ =	shalt  }
0x48: {  	_ =	shalt  }
0x49: {  	_ =	shalt  }
0x4a: {  	_ =	shalt  }
0x4b: {  	_ =	shalt  }
0x4c: {  	_ =	shalt  }
0x4d: {  	_ =	shalt  }
0x4e: {  	_ =	shalt  }
0x4f: {  	_ =	shalt  }
0x50: {  	_ =	shalt  }
0x51: {  	_ =	shalt  }
0x52: {  	_ =	shalt  }
0x53: {  	_ =	shalt  }
0x54: {  	_ =	shalt  }
0x55: {  	_ =	shalt  }
0x56: {  	_ =	shalt  }
0x57: {  	_ =	shalt  }
0x58: {  	_ =	shalt  }
0x59: {  	_ =	shalt  }
0x5a: {  	_ =	shalt  }
0x5b: {  	_ =	shalt  }
0x5c: {  	_ =	shalt  }
0x5d: {  	_ =	shalt  }
0x5e: {  	_ =	shalt  }
0x5f: {  	_ =	shalt  }
0x60: {  	_ =	shalt  }
0x61: {  	_ =	shalt  }
0x62: {  	_ =	shalt  }
0x63: {  	_ =	shalt  }
0x64: {  	_ =	shalt  }
0x65: {  	_ =	shalt  }
0x66: {  	_ =	shalt  }
0x67: {  	_ =	shalt  }
0x68: {  	_ =	shalt  }
0x69: {  	_ =	shalt  }
0x6a: {  	_ =	shalt  }
0x6b: {  	_ =	shalt  }
0x6c: {  	_ =	shalt  }
0x6d: {  	_ =	shalt  }
0x6e: {  	_ =	shalt  }
0x6f: {  	_ =	shalt  }
0x70: {  	_ =	shalt  }
0x71: {  	_ =	shalt  }
0x72: {  	_ =	shalt  }
0x73: {  	_ =	shalt  }
0x74: {  	_ =	shalt  }
0x75: {  	_ =	shalt  }
0x76: {  	_ =	shalt  }
0x77: {  	_ =	shalt  }
0x78: {  	_ =	shalt  }
0x79: {  	_ =	shalt  }
0x7a: {  	_ =	shalt  }
0x7b: {  	_ =	shalt  }
0x7c: {  	_ =	shalt  }
0x7d: {  	_ =	shalt  }
0x7e: {  	_ =	shalt  }
0x7f: {  	_ =	shalt  }
0x80: {  	_ =	shalt  }
0x81: {  	_ =	shalt  }
0x82: {  	_ =	shalt  }
0x83: {  	_ =	shalt  }
0x84: {  	_ =	shalt  }
0x85: {  	_ =	shalt  }
0x86: {  	_ =	shalt  }
0x87: {  	_ =	shalt  }
.Lfunc_end0:
.L_simem_size_0:
called_computation.3_lowered:
.L_overlay_start_0:
0x88: {  	s2 =	sld [smem:$0x3FD9]  }
0x89: {  	s3 =	sld [smem:$0x3FFE];
	_ =	sdelay $0x1  }
0x8a: {  	s1 =	srdreg.scid  }
0x8b: {  	s0 =	sand.u32 $0x1, s1  }
0x8c: {  	s17 =	sshll.u32 s0, $0xA;
	s2 =	sadd.s32 s3, s2  }
0x8d: {  	s2 =	sadd.s32 s2, s17  }
0x8e: {  	[smem:$0x3FBD] =	sst s2  }
0x8f: {  	_ = 	snop  }
0x90: {  	s2 =	sld [smem:$0x3FD0];
	(tm) =	ssettm $0x1  }
0x91: {  	s18 =	sld [smem:$0x3FFB];
	_ =	sdelay $0x3  }
0x92: {  	_ =	strace s18  }
0x93: {  	s3 =	sld [smem:$0x3FFC];
	_ =	sdelay $0x3  }
0x94: {  	_ =	strace s3  }
0x95: {  	s3 =	sld [smem:$0x3FFD];
	_ =	sdelay $0x3  }
0x96: {  	_ =	strace s3  }
0x97: {  	_ =	strace $0x8FFFFFFF  }
0x98: {  	s19 =	sld [smem:$0x3FDB];
	_ =	sdelay $0x1  }
0x99: {  	s4 =	simm.s32 $_scs_section_size  }
0x9a: {  	s5 =	simm.s32 $_size__tile_overlayer_lowered;
	s6 =	simm.s32 $_tile_overlayer_lowered  }
0x9b: {  	s22 =	simm.s32 $0x1BFF;
	s21 =	sshll.u32 s6, $0x1;
	s3 =	sadd.s32 s4, s19  }
0x9c: {  	s7 =	simm.s32 $0x0;
	s20 =	sshll.u32 s5, $0x1;
	s5 =	sadd.s32 s21, s3  }
0x9d: {  	[timem:s7], [sflag:s22] =	dma.local [hbm:s5], s20  }
0x9e: {  	_ =	swait.ge [sflag:s22], s20  }
0x9f: {  	s4 =	ssub.s32 $0x0, s20;
	[sflag:s22] =	ssyncset.done $0x0  }
0xa0: {  	[sflag:s22] =	ssyncadd.s32 s4;
	_ =	sdelay $0x1  }
0xa1: {  	s23 =	simm.s32 $0x1B8B  }
0xa2: {  	_ =	swait.ge [sflag:s23], $0x1  }
0xa3: {  	[sflag:s23] =	ssyncset.done $0x0  }
0xa4: {  	s25 =	simm.s32 $0x1B8E;
	s24 =	sld [smem:$0x3FFE];
	[sflag:s23] =	ssyncadd.s32 $0xFFFFFFFF  }
0xa5: {  	s26 =	simm.s32 $execute0_lowered;
	[smem:$0x3FD2] =	sst s25  }
0xa6: {  	s5 =	sshll.u32 s26, $0x1;
	_ =	strace $0x8000004F;
	[dreg:$0x1] =	wrdreg $0xFFFFFFFF  }
0xa7: {  	s28 =	simm.s32 $_size_execute0_lowered;
	s3 =	sadd.s32 s3, s5;
	[dreg:$0x0] =	wrdreg $0x0  }
0xa8: {  	s5 =	sshll.u32 s28, $0x1;
	[dreg:$0x2] =	wrdreg s3  }
0xa9: {  	[dreg:$0x3] =	wrdreg s5  }
0xaa: {  	[dreg:$0x4] =	wrdreg $0xC0  }
0xab: {  	_ =	task [dreg:s7], $0x5FFFF  }
0xac: {  	[dreg:$0x1] =	wrdreg $0xFFFFFFFF  }
0xad: {  	[dreg:$0x0] =	wrdreg $0x60  }
0xae: {  	[dreg:$0x2] =	wrdreg s24  }
0xaf: {  	[dreg:$0x3] =	wrdreg s2  }
0xb0: {  	[dreg:$0x4] =	wrdreg $0x65C00  }
0xb1: {  	[dreg:$0x5] =	wrdreg $0x4D800  }
0xb2: {  	[dreg:$0x6] =	wrdreg $0x9  }
0xb3: {  	_ =	task.clear_ibuf [dreg:s7], $0x7FFFF;
	_ =	strace $0x9000004F  }
0xb4: {  	s29 =	simm.s32 $0x9;
	_ =	strace $0x80000051  }
0xb5: {  	_ =	swait.ge [sflag:s29], $0x1  }
0xb6: {  	[sflag:s29] =	ssyncadd.s32 $0xFFFFFFFF  }
0xb7: {  	_ =	strace $0x90000051  }
0xb8: {  	_ =	sfence  }
0xb9: {  	s30 =	sld [smem:$0x0];
	_ =	sdelay $0x2  }
0xba: {  	s31 =	sshll.u32 s1, $0xD;
	s1 =	sshrl.u32 s1, $0x2  }
0xbb: {  	s3 =	sand.u32 $0x4000, s31;
	s1 =	sadd.s32 s1, s30  }
0xbc: {  	s0 =	sor.u32 s3, s0;
	s1 =	sshll.u32 s1, $0x11  }
0xbd: {  	s0 =	sor.u32 s1, s0  }
0xbe: {  	s0 =	sadd.s32 $0x8F2B, s0  }
0xbf: {  	[sflag:s0] =	ssyncadd.remote.s32 $0x1  }
0xc0: {  	_ =	sfence.sel $0xFFFF  }
0xc1: {  	[dreg:$0x0] =	wrdreg $0xFFFFFFFF;
	(pc) =	sbr.abs _section_cstart, $3  }
0xc2: {  	[dreg:$0x1] =	wrdreg $0xFFFFFFFF  }
0xc3: {  	_ =	task.clear_ibuf [dreg:s7], $0x2FFFF;
	_ =	strace $0x9FFFFFFF  }
0xc4: {  	(tm) =	ssettm $0x7FFFFFFF  }
0xc5: {  	_ =	shalt  }
tec
execute0_lowered:
.L_overlay_start_1:
0x0: {  	(tag) =	ssettag $0x1  }
0x1: {  	s8 =	rddreg [dreg:$0x0]  }
0x2: {  	s12 =	rddreg [dreg:$0x1]  }
0x3: {  	s1 =	rddreg [dreg:$0x2]  }
0x4: {  	s2 =	rddreg [dreg:$0x3]  }
0x5: {  	s3 =	srdreg.scid;
	s0 =	rddreg [dreg:$0x4]  }
0x6: {  	s4 =	simm.s32 $0x0;
	s15 =	simm.s32 $0x2;
	s16 =	simm.s32 $0x4D00  }
0x7: {  	s17 =	simm.s32 $0x4100;
	s18 =	simm.s32 $0x80;
	s19 =	simm.s32 $0x100  }
0x8: {  	s20 =	simm.s32 $0x1;
	s21 =	simm.s32 $0x10;
	s22 =	simm.s32 $0x0  }
0x9: {  	s9 =	sand.u32 $0x1, s3;
	s3 =	stileid.u32;
	[smem:$0x7FF] =	sst s4  }
0xa: {  	s5 =	sadd.s32 $0xC200, s8;
	s6 =	sadd.s32 $0x2200, s8;
	s7 =	smul.u32 $0x13C000, s9  }
0xb: {  	s10 =	smul.u32 $0x13C00, s3;
	_ =	strace $0x80000050;
	s11 =	ssub.s32 $0x2, s9  }
0xc: {  	s13 =	smul.u32 $0x4F000, s3;
	s30 =	sshll.u32 s3, $0x8;
	s31 =	sshll.u32 s9, $0x7  }
0xd: {  	p0 =	slt.u32 s3, $0x2;
	s9 =	simm.s32 $0x4F;
	s14 =	sshrl.u32 s11, $0x1  }
0xe: {  	s9 =	simm.s32 @!p0 $0x4E;
	s10 =	sadd.s32 s10, s7;
	s7 =	sadd.s32 $0xC000, s8  }
0xf: {  	s11 =	ssub.s32 s11, s14;
	s29 =	sshrl.u32 s13, $0x2;
	s13 =	sor.u32 s31, s30  }
0x10: {  	s14 =	simm.s32 $0x4900;
	s10 =	sshrl.u32 s10, $0x3;
	s13 =	sshrl.u32 s13, $0x3  }
0x11: {  	s11 =	smax.u32 s11, $0x1;
	s10 =	sadd.s32 s10, s8;
	s8 =	sadd.s32 s29, s1  }
0x12: {  	v0 =	vimm.f32 $0.0e+00;
	s12 =	sadd.s32 s13, s12;
	s13 =	sadd.s32 s13, s6;
	s10 =	sadd.s32 $0x148400, s10  }
.LBB2_1:
0x13: {  	[tilespmem:s14], [sflag:$0x2] =	stream.linear.gather [hbm4b:s7+s4], $0x400, $0x38;
	[tilespmem:$0x1A1C0] =	vst v63  }
0x14: {  	_ =	swait.ge [sflag:s15], $0x400  }
0x15: {  	[sflag:s15] =	ssyncset.done $0x0  }
0x16: {  	[sflag:s15] =	ssyncadd.s32 $0xFFFFFC00  }
0x17: {  	[tilespmem:s16], [sflag:$0x2] =	stream.linear.gather [hbm4b:s6+s4], $0x10, $0x38;
	[tilespmem:$0x1A1C0] =	vst v63  }
0x18: {  	_ =	swait.ge [sflag:s15], $0x10  }
0x19: {  	[sflag:s15] =	ssyncset.done $0x0  }
0x1a: {  	s23 =	simm.s32 $0x0;
	s24 =	simm.s32 $0x0;
	[sflag:s15] =	ssyncadd.s32 $0xFFFFFFF0  }
.LBB2_2:
0x1b: {  	p0 =	sne.s32 s24, $0x1FC0  }
.Ltmp0:
0x1c: {  	_ = 	snop;
	(pc) =	sbr.rel @p0 .LBB2_2-.Ltmp0, $4  }
0x1d: {  	s25 =	sand.u32 $0x1E00, s24  }
0x1e: {  	s26 =	sand.u32 $0x70, s23;
	s25 =	sshrl.u32 s25, $0x2  }
0x1f: {  	s25 =	sor.u32 s26, s25  }
0x20: {  	s23 =	sadd.s32 $0x10, s23;
	s24 =	sadd.s32 $0x40, s24;
	[tilespmem:s25+$0x4100] =	vst v0  }
0x21: {  	s23 =	sadd.s32 $0x0, s8  }
0x22: {  	[spmem:s23] =	stream.linear.scatter [tilespmem:s17], [sflag:$0x2], $0x800, $0x38;
	[tilespmem:$0x1A1C0] =	vst v63  }
0x23: {  	s23 =	simm.s32 $0x2000;
	_ =	swait.ge [sflag:s15], $0x800  }
.LBB2_4:
0x24: {  	s24 =	sshra.s32 s23, $0x2;
	[sflag:s15] =	ssyncset.done $0x0;
	p0 =	sne.s32 s23, $0x4C000  }
.Ltmp1:
0x25: {  	s24 =	sadd.s32 s24, s8;
	[sflag:s15] =	ssyncadd.s32 $0xFFFFF800;
	(pc) =	sbr.rel @p0 .LBB2_4-.Ltmp1, $3  }
0x26: {  	[spmem:s24] =	stream.linear.scatter [tilespmem:s17], [sflag:$0x2], $0x800, $0x38;
	[tilespmem:$0x1A1C0] =	vst v63  }
0x27: {  	s23 =	sadd.s32 $0x2000, s23;
	_ =	sdelay $0x1  }
0x28: {  	_ =	swait.ge [sflag:s15], $0x800  }
0x29: {  	[sflag:s15] =	ssyncset.done $0x0  }
0x2a: {  	[sflag:s15] =	ssyncadd.s32 $0xFFFFF800  }
0x2b: {  	[spmem:s2] =	stream.linear.scatter [tilespmem:s17], [sflag:$0x2], $0x800, $0x38;
	[tilespmem:$0x1A1C0] =	vst v63  }
0x2c: {  	_ =	swait.ge [sflag:s15], $0x800  }
0x2d: {  	[sflag:s15] =	ssyncset.done $0x0  }
0x2e: {  	[sflag:s15] =	ssyncadd.s32 $0xFFFFF800  }
0x2f: {  	[bflag:$0x0] =	sbarrier.arrive $0xFFFF  }
0x30: {  	[tilespmem:s4], [sflag:$0x2] =	stream.linear.gather [hbm4b:s13+s4], $0x80, $0x38;
	[tilespmem:$0x1A1C0] =	vst v63  }
0x31: {  	_ =	swait.ge [sflag:s15], $0x80  }
0x32: {  	[sflag:s15] =	ssyncset.done $0x0  }
0x33: {  	[sflag:s15] =	ssyncadd.s32 $0xFFFFFF80  }
0x34: {  	[tilespmem:s18], [sflag:$0x2] =	stream.linear.gather [hbm4b:s12+s4], $0x80, $0x38;
	[tilespmem:$0x1A1C0] =	vst v63  }
0x35: {  	_ =	swait.ge [sflag:s15], $0x80  }
0x36: {  	[sflag:s15] =	ssyncset.done $0x0  }
0x37: {  	[sflag:s15] =	ssyncadd.s32 $0xFFFFFF80  }
0x38: {  	[tilespmem:s19], [sflag:$0x1] =	stream.indirect.gather [hbm4b:s5+s18], $0x80, s4, s18, $0xb8;
	[tilespmem:$0x1A1C0] =	vst v63  }
0x39: {  	p0 =	sne.s32 s9, $0x1;
	_ =	swait.ge [sflag:s20], $0x4000  }
.Ltmp2:
0x3a: {  	[sflag:s20] =	ssyncset.done $0x0;
	(pc) =	sbr.rel @!p0 .LBB2_7-.Ltmp2, $4  }
0x3b: {  	[sflag:s20] =	ssyncadd.s32 $0xFFFFC000  }
0x3c: {  	[spmem:s1] =	stream.indirect.scatter.add.f32 [tilespmem:s19], [sflag:$0x2], $0x80, s18, s18, $0xb8;
	[tilespmem:$0x1A1C0] =	vst v63  }
0x3d: {  	s23 =	sadd.s32 $0xFFFFFFFF, s9;
	_ =	swait.ge [sflag:s15], $0x4000  }
0x3e: {  	s24 =	smov.u32 s12;
	s25 =	smov.u32 s13;
	[sflag:s15] =	ssyncset.done $0x0  }
.LBB2_6:
0x3f: {  	[sflag:s15] =	ssyncadd.s32 $0xFFFFC000;
	s24 =	sadd.s32 $0x200, s24;
	s25 =	sadd.s32 $0x200, s25  }
0x40: {  	[tilespmem:s4], [sflag:$0x2] =	stream.linear.gather [hbm4b:s25+s4], $0x80, $0x38;
	[tilespmem:$0x1A1C0] =	vst v63  }
0x41: {  	p0 =	sne.s32 s23, $0x1;
	s23 =	sadd.s32 $0xFFFFFFFF, s23;
	_ =	swait.ge [sflag:s15], $0x80  }
0x42: {  	[sflag:s15] =	ssyncset.done $0x0  }
0x43: {  	[sflag:s15] =	ssyncadd.s32 $0xFFFFFF80  }
0x44: {  	[tilespmem:s18], [sflag:$0x2] =	stream.linear.gather [hbm4b:s24+s4], $0x80, $0x38;
	[tilespmem:$0x1A1C0] =	vst v63  }
0x45: {  	_ =	swait.ge [sflag:s15], $0x80  }
0x46: {  	[sflag:s15] =	ssyncset.done $0x0  }
0x47: {  	[sflag:s15] =	ssyncadd.s32 $0xFFFFFF80  }
0x48: {  	[tilespmem:s19], [sflag:$0x1] =	stream.indirect.gather [hbm4b:s5+s18], $0x80, s4, s18, $0xb8;
	[tilespmem:$0x1A1C0] =	vst v63  }
0x49: {  	_ =	swait.ge [sflag:s20], $0x4000  }
.Ltmp3:
0x4a: {  	[sflag:s20] =	ssyncset.done $0x0;
	(pc) =	sbr.rel @p0 .LBB2_6-.Ltmp3, $4  }
0x4b: {  	[sflag:s20] =	ssyncadd.s32 $0xFFFFC000  }
0x4c: {  	[spmem:s1] =	stream.indirect.scatter.add.f32 [tilespmem:s19], [sflag:$0x2], $0x80, s18, s18, $0xb8;
	[tilespmem:$0x1A1C0] =	vst v63  }
0x4d: {  	_ =	swait.ge [sflag:s15], $0x4000  }
0x4e: {  	[sflag:s15] =	ssyncset.done $0x0  }
.LBB2_7:
0x4f: {  	[sflag:s15] =	ssyncadd.s32 $0xFFFFC000  }
0x50: {  	[bflag:$0x0] =	sbarrier.arrive $0xFFFF  }
0x51: {  	[spmem:s1] =	stream.indirect.scatter.add.f32 [tilespmem:s17], [sflag:$0x2], $0x80, s16, s21, $0xb8;
	[tilespmem:$0x1A1C0] =	vst v63  }
0x52: {  	_ =	swait.ge [sflag:s15], $0x800  }
0x53: {  	s23 =	sshll.u32 s3, $0x6;
	s22 =	sadd.s32 $0x1, s22;
	[sflag:s15] =	ssyncset.done $0x0  }
0x54: {  	s24 =	sshrl.u32 s8, $0x3;
	p0 =	sne.s32 s22, s11;
	[sflag:s15] =	ssyncadd.s32 $0xFFFFF800  }
.Ltmp4:
0x55: {  	s23 =	sor.u32 $0x1C02, s23;
	[bflag:$0x0] =	sbarrier.arrive $0xFFFF;
	(pc) =	sbr.rel @p0 .LBB2_1-.Ltmp4, $4  }
0x56: {  	[hbm:s10], [sflag:s23] =	dma.local [spmem:s24], $0x2780  }
0x57: {  	_ =	swait.ge [sflag:s15], $0x2780  }
0x58: {  	[sflag:s15] =	ssyncset.done $0x0  }
0x59: {  	[sflag:s15] =	ssyncadd.s32 $0xFFFFD880  }
0x5a: {  	_ =	sfence.sel $0x180000  }
0x5b: {  	[bflag:$0x0] =	sbarrier.arrive $0xFFFF  }
0x5c: {  	p0 =	sne.s32 s3, $0x0;
	_ =	strace $0x90000050  }
0x5d: {  	s0 =	sadd.s32 @!p0 $0x100000, s0;
	[bflag:$0x2] =	sbarrier.arrive $0xFFFF  }
0x5e: {  	[sflag:s0] =	ssyncadd.tile.s32 @!p0 $0x1;
	_ =	shalt  }
.Lfunc_end2:
_tile_overlayer_lowered:
.L_overlay_start_2:
0x5f: {  	(tag) =	ssettag $0x2  }
0x60: {  	s0 =	rddreg [dreg:$0x0];
	s2 =	stileid.u32  }
0x61: {  	s1 =	rddreg [dreg:$0x1];
	p0 =	sne.s32 s2, $0x0  }
0x62: {  	s3 =	rddreg [dreg:$0x2];
	[bflag:$0x3] =	sbarrier.arrive $0xFFFF;
	s2 =	simm.s32 @!p0 $0x1C02  }
0x63: {  	[timem:s3], [sflag:s2] =	dma.local @!p0 [hbm:s0], s1  }
0x64: {  	s0 =	simm.s32 @!p0 $0x2  }
0x65: {  	_ =	swait.ge @!p0 [sflag:s0], s1  }
0x66: {  	s1 =	ssub.s32 @!p0 $0x0, s1;
	[sflag:s0] =	ssyncset.done @!p0 $0x0  }
0x67: {  	[sflag:s0] =	ssyncadd.s32 @!p0 s1  }
0x68: {  	[bflag:$0x3] =	sbarrier.arrive $0xFFFF  }
0x69: {  	_ =	shalt  }

// kernel: kernel.9.cloned.1.call-start
scs
__scs_entry_jumppad:
0x0: {  	(pc) =	sbr.rel $0x88, $3  }
0x1: {  	(tag) =	ssettag $0x0;
	lr =	simm.s32 $0x1  }
0x2: {  	[smem:$0x3F96] =	sst lr;
	_ =	strace $0xD0000000  }
0x3: {  	_ = 	snop  }
0x4: {  	_ = 	snop  }
0x5: {  	_ = 	snop  }
0x6: {  	_ = 	snop  }
0x7: {  	_ = 	snop  }
__scs_overlays_trampoline_lowered:
0x8: {  	[smem:$0x3FA5] =	sst s0  }
0x9: {  	[smem:$0x3FA6] =	sst s1  }
0xa: {  	[smem:$0x3FA7] =	sst s2  }
0xb: {  	[smem:$0x3FA8] =	sst s3  }
0xc: {  	[smem:$0x3FA9] =	sst s4  }
0xd: {  	[smem:$0x3FAA] =	sst s5  }
0xe: {  	[smem:$0x3FAB] =	sst s6  }
0xf: {  	[smem:$0x3FAC] =	sst s7  }
0x10: {  	[smem:$0x3FAD] =	sst s8  }
0x11: {  	[smem:$0x3FAE] =	sst s9;
	s0 =	simm.s32 @!p0 $0x0  }
0x12: {  	s1 =	sld [smem:$0x3F94];
	s0 =	simm.s32 @p0 $0x1  }
0x13: {  	[smem:$0x3FAF] =	sst s0;
	s0 =	simm.s32 @!p1 $0x0  }
0x14: {  	s2 =	sld [smem:$0x3F93];
	s0 =	simm.s32 @p1 $0x1  }
0x15: {  	[smem:$0x3FB0] =	sst s0;
	s0 =	simm.s32 @!p2 $0x0  }
0x16: {  	s3 =	sld [smem:$0x3FDB];
	s0 =	simm.s32 @p2 $0x1  }
0x17: {  	s4 =	simm.s32 $0x1BF5;
	[smem:$0x3FB2] =	sst s0  }
0x18: {  	s0 =	sld [smem:$0x3F95];
	_ =	swait.ge [sflag:s4], $0x0  }
0x19: {  	s7 =	sld [smem:$0x3F96]  }
0x1a: {  	s8 =	sadd.s32 $0xFFFFE003, lr  }
0x1b: {  	s9 =	sadd.s32 $0xFFFFFEF7, lr;
	s5 =	simm.s32 $0xFFFFFFFF;
	p2 =	slt.u32 s8, $0xFFFFF086  }
0x1c: {  	p1 =	slt.u32 s9, $0xF7A;
	s5 =	simm.s32 @!p2 $0x0  }
0x1d: {  	s5 =	simm.s32 @p1 $0x1;
	p0 =	seq.s32 s7, s2  }
0x1e: {  	s7 =	smul.u32 @!p0 $0xF7A, s2;
	p2 =	seq.s32 @!p0 s5, $0x0  }
0x1f: {  	s9 =	smul.u32 $0xF7A, s1;
	s8 =	simm.s32 @!p0 $0x1BF5;
	p2 =	por !p2, p0  }
0x20: {  	[sflag:s8] =	ssyncset.s32 @!p0 $0xFFFFF086;
	s6 =	sadd.s32 @!p0 s3, s7;
	s7 =	simm.s32 @!p0 $0x108  }
0x21: {  	s3 =	sadd.s32 s3, s9;
	s6 =	sadd.s32 @!p0 $0x88, s6;
	s7 =	simm.s32 @p2 $0x1082  }
0x22: {  	[simem:s7], [sflag:s8] =	dma.local @!p0 [hbm:s6], $0xF7A  }
0x23: {  	s9 =	sor.u32 $0xD0000000, s2;
	s6 =	simm.s32 $0x108;
	_ =	swait.ge @!p0 [sflag:s8], $0x0  }
0x24: {  	s3 =	sadd.s32 $0x88, s3;
	s6 =	simm.s32 @!p1 $0x1082;
	[sflag:s4] =	ssyncset.s32 $0xFFFFF086  }
0x25: {  	[simem:s6], [sflag:s4] =	dma.local [hbm:s3], $0xF7A  }
0x26: {  	[smem:$0x3F96] =	sst s1;
	(tag) =	ssettag s2;
	_ =	strace s9  }
0x27: {  	s1 =	sld [smem:$0x3FA6]  }
0x28: {  	s2 =	sld [smem:$0x3FA7]  }
0x29: {  	s4 =	sld [smem:$0x3FA9]  }
0x2a: {  	p0 =	seq.s32 s5, $0x0;
	s5 =	sld [smem:$0x3FAA]  }
0x2b: {  	s6 =	sld [smem:$0x3FAB]  }
0x2c: {  	s7 =	sld [smem:$0x3FAC]  }
0x2d: {  	s3 =	simm.s32 $0x108;
	s8 =	sld [smem:$0x3FAD]  }
0x2e: {  	s3 =	simm.s32 @!p0 $0x1082;
	s9 =	sld [smem:$0x3FAE]  }
0x2f: {  	lr =	sadd.s32 s0, s3;
	s0 =	sld [smem:$0x3FA5]  }
0x30: {  	s3 =	sld [smem:$0x3FA8]  }
0x31: {  	[smem:$0x3FB1] =	sst s10  }
0x32: {  	s10 =	sld [smem:$0x3FAF];
	_ =	sdelay $0x3  }
0x33: {  	p0 =	seq.s32 s10, $0x1;
	s10 =	sld [smem:$0x3FB1];
	_ =	sdelay $0x3  }
0x34: {  	[smem:$0x3FB1] =	sst s10  }
0x35: {  	s10 =	sld [smem:$0x3FB0];
	_ =	sdelay $0x3  }
0x36: {  	p1 =	seq.s32 s10, $0x1;
	s10 =	sld [smem:$0x3FB1];
	_ =	sdelay $0x3  }
0x37: {  	[smem:$0x3FB1] =	sst s10  }
0x38: {  	s10 =	sld [smem:$0x3FB2]  }
0x39: {  	_ = 	snop;
	(pc) =	sbr.ind lr, $3  }
0x3a: {  	_ = 	snop  }
0x3b: {  	_ = 	snop  }
0x3c: {  	p2 =	seq.s32 s10, $0x1;
	s10 =	sld [smem:$0x3FB1]  }
0x3d: {  	_ =	shalt  }
0x3e: {  	_ =	shalt  }
0x3f: {  	_ =	shalt  }
0x40: {  	_ =	shalt  }
0x41: {  	_ =	shalt  }
0x42: {  	_ =	shalt  }
0x43: {  	_ =	shalt  }
0x44: {  	_ =	shalt  }
0x45: {  	_ =	shalt  }
0x46: {  	_ =	shalt  }
0x47: {  	_ =	shalt  }
0x48: {  	_ =	shalt  }
0x49: {  	_ =	shalt  }
0x4a: {  	_ =	shalt  }
0x4b: {  	_ =	shalt  }
0x4c: {  	_ =	shalt  }
0x4d: {  	_ =	shalt  }
0x4e: {  	_ =	shalt  }
0x4f: {  	_ =	shalt  }
0x50: {  	_ =	shalt  }
0x51: {  	_ =	shalt  }
0x52: {  	_ =	shalt  }
0x53: {  	_ =	shalt  }
0x54: {  	_ =	shalt  }
0x55: {  	_ =	shalt  }
0x56: {  	_ =	shalt  }
0x57: {  	_ =	shalt  }
0x58: {  	_ =	shalt  }
0x59: {  	_ =	shalt  }
0x5a: {  	_ =	shalt  }
0x5b: {  	_ =	shalt  }
0x5c: {  	_ =	shalt  }
0x5d: {  	_ =	shalt  }
0x5e: {  	_ =	shalt  }
0x5f: {  	_ =	shalt  }
0x60: {  	_ =	shalt  }
0x61: {  	_ =	shalt  }
0x62: {  	_ =	shalt  }
0x63: {  	_ =	shalt  }
0x64: {  	_ =	shalt  }
0x65: {  	_ =	shalt  }
0x66: {  	_ =	shalt  }
0x67: {  	_ =	shalt  }
0x68: {  	_ =	shalt  }
0x69: {  	_ =	shalt  }
0x6a: {  	_ =	shalt  }
0x6b: {  	_ =	shalt  }
0x6c: {  	_ =	shalt  }
0x6d: {  	_ =	shalt  }
0x6e: {  	_ =	shalt  }
0x6f: {  	_ =	shalt  }
0x70: {  	_ =	shalt  }
0x71: {  	_ =	shalt  }
0x72: {  	_ =	shalt  }
0x73: {  	_ =	shalt  }
0x74: {  	_ =	shalt  }
0x75: {  	_ =	shalt  }
0x76: {  	_ =	shalt  }
0x77: {  	_ =	shalt  }
0x78: {  	_ =	shalt  }
0x79: {  	_ =	shalt  }
0x7a: {  	_ =	shalt  }
0x7b: {  	_ =	shalt  }
0x7c: {  	_ =	shalt  }
0x7d: {  	_ =	shalt  }
0x7e: {  	_ =	shalt  }
0x7f: {  	_ =	shalt  }
0x80: {  	_ =	shalt  }
0x81: {  	_ =	shalt  }
0x82: {  	_ =	shalt  }
0x83: {  	_ =	shalt  }
0x84: {  	_ =	shalt  }
0x85: {  	_ =	shalt  }
0x86: {  	_ =	shalt  }
0x87: {  	_ =	shalt  }
.Lfunc_end0:
.L_simem_size_0:
called_computation_lowered:
.L_overlay_start_0:
0x88: {  	s2 =	sld [smem:$0x3FD9]  }
0x89: {  	s3 =	sld [smem:$0x3FFE];
	_ =	sdelay $0x1  }
0x8a: {  	s1 =	srdreg.scid  }
0x8b: {  	s0 =	sand.u32 $0x1, s1  }
0x8c: {  	s17 =	sshll.u32 s0, $0xA;
	s2 =	sadd.s32 s3, s2  }
0x8d: {  	s2 =	sadd.s32 s2, s17  }
0x8e: {  	[smem:$0x3FBD] =	sst s2  }
0x8f: {  	_ = 	snop  }
0x90: {  	s2 =	sld [smem:$0x3FD0];
	(tm) =	ssettm $0x1  }
0x91: {  	s18 =	sld [smem:$0x3FFB];
	_ =	sdelay $0x3  }
0x92: {  	_ =	strace s18  }
0x93: {  	s3 =	sld [smem:$0x3FFC];
	_ =	sdelay $0x3  }
0x94: {  	_ =	strace s3  }
0x95: {  	s3 =	sld [smem:$0x3FFD];
	_ =	sdelay $0x3  }
0x96: {  	_ =	strace s3  }
0x97: {  	_ =	strace $0x8FFFFFFF  }
0x98: {  	s19 =	sld [smem:$0x3FDB];
	_ =	sdelay $0x1  }
0x99: {  	s4 =	simm.s32 $_scs_section_size  }
0x9a: {  	s5 =	simm.s32 $_size__tile_overlayer_lowered;
	s6 =	simm.s32 $_tile_overlayer_lowered  }
0x9b: {  	s22 =	simm.s32 $0x1BFF;
	s21 =	sshll.u32 s6, $0x1;
	s3 =	sadd.s32 s4, s19  }
0x9c: {  	s7 =	simm.s32 $0x0;
	s20 =	sshll.u32 s5, $0x1;
	s5 =	sadd.s32 s21, s3  }
0x9d: {  	[timem:s7], [sflag:s22] =	dma.local [hbm:s5], s20  }
0x9e: {  	_ =	swait.ge [sflag:s22], s20  }
0x9f: {  	s4 =	ssub.s32 $0x0, s20;
	[sflag:s22] =	ssyncset.done $0x0  }
0xa0: {  	[sflag:s22] =	ssyncadd.s32 s4;
	_ =	sdelay $0x1  }
0xa1: {  	s23 =	simm.s32 $0x1B8B  }
0xa2: {  	_ =	swait.ge [sflag:s23], $0x1  }
0xa3: {  	[sflag:s23] =	ssyncset.done $0x0  }
0xa4: {  	s25 =	simm.s32 $0x1B8E;
	s24 =	sld [smem:$0x3FFE];
	[sflag:s23] =	ssyncadd.s32 $0xFFFFFFFF  }
0xa5: {  	s26 =	simm.s32 $execute0_lowered;
	[smem:$0x3FD2] =	sst s25  }
0xa6: {  	s5 =	sshll.u32 s26, $0x1;
	_ =	strace $0x80000046;
	[dreg:$0x1] =	wrdreg $0xFFFFFFFF  }
0xa7: {  	s28 =	simm.s32 $_size_execute0_lowered;
	s3 =	sadd.s32 s3, s5;
	[dreg:$0x0] =	wrdreg $0x0  }
0xa8: {  	s5 =	sshll.u32 s28, $0x1;
	[dreg:$0x2] =	wrdreg s3  }
0xa9: {  	[dreg:$0x3] =	wrdreg s5  }
0xaa: {  	[dreg:$0x4] =	wrdreg $0xC0  }
0xab: {  	_ =	task [dreg:s7], $0x5FFFF  }
0xac: {  	[dreg:$0x1] =	wrdreg $0xFFFFFFFF  }
0xad: {  	[dreg:$0x0] =	wrdreg $0x60  }
0xae: {  	[dreg:$0x2] =	wrdreg s24  }
0xaf: {  	[dreg:$0x3] =	wrdreg s2  }
0xb0: {  	[dreg:$0x4] =	wrdreg $0x4DC00  }
0xb1: {  	[dreg:$0x5] =	wrdreg $0x4D800  }
0xb2: {  	[dreg:$0x6] =	wrdreg $0x9  }
0xb3: {  	_ =	task.clear_ibuf [dreg:s7], $0x7FFFF;
	_ =	strace $0x90000046  }
0xb4: {  	s29 =	simm.s32 $0x9;
	_ =	strace $0x80000048  }
0xb5: {  	_ =	swait.ge [sflag:s29], $0x1  }
0xb6: {  	[sflag:s29] =	ssyncadd.s32 $0xFFFFFFFF  }
0xb7: {  	_ =	strace $0x90000048  }
0xb8: {  	_ =	sfence  }
0xb9: {  	s30 =	sld [smem:$0x0];
	_ =	sdelay $0x2  }
0xba: {  	s31 =	sshll.u32 s1, $0xD;
	s1 =	sshrl.u32 s1, $0x2  }
0xbb: {  	s3 =	sand.u32 $0x4000, s31;
	s1 =	sadd.s32 s1, s30  }
0xbc: {  	s0 =	sor.u32 s3, s0;
	s1 =	sshll.u32 s1, $0x11  }
0xbd: {  	s0 =	sor.u32 s1, s0  }
0xbe: {  	s0 =	sadd.s32 $0x8F2B, s0  }
0xbf: {  	[sflag:s0] =	ssyncadd.remote.s32 $0x1  }
0xc0: {  	_ =	sfence.sel $0xFFFF  }
0xc1: {  	[dreg:$0x0] =	wrdreg $0xFFFFFFFF;
	(pc) =	sbr.abs _section_cstart, $3  }
0xc2: {  	[dreg:$0x1] =	wrdreg $0xFFFFFFFF  }
0xc3: {  	_ =	task.clear_ibuf [dreg:s7], $0x2FFFF;
	_ =	strace $0x9FFFFFFF  }
0xc4: {  	(tm) =	ssettm $0x7FFFFFFF  }
0xc5: {  	_ =	shalt  }
tec
execute0_lowered:
.L_overlay_start_1:
0x0: {  	(tag) =	ssettag $0x1  }
0x1: {  	s8 =	rddreg [dreg:$0x0]  }
0x2: {  	s1 =	rddreg [dreg:$0x1]  }
0x3: {  	s2 =	rddreg [dreg:$0x2]  }
0x4: {  	s3 =	rddreg [dreg:$0x3]  }
0x5: {  	s4 =	srdreg.scid;
	s0 =	rddreg [dreg:$0x4];
	s5 =	simm.s32 $0x0  }
0x6: {  	s14 =	simm.s32 $0x2;
	s15 =	simm.s32 $0x4D00;
	s16 =	simm.s32 $0x4100  }
0x7: {  	s17 =	simm.s32 $0x80;
	s18 =	simm.s32 $0x100;
	s19 =	simm.s32 $0x1  }
0x8: {  	s20 =	simm.s32 $0x10;
	s9 =	sand.u32 $0x1, s4;
	s4 =	stileid.u32  }
0x9: {  	s21 =	simm.s32 $0x0;
	[smem:$0x7FF] =	sst s5;
	s7 =	smul.u32 $0x13C000, s9  }
0xa: {  	s6 =	sadd.s32 $0xC200, s8;
	s10 =	smul.u32 $0x13C00, s4;
	_ =	strace $0x80000047  }
0xb: {  	s29 =	ssub.s32 $0x2, s9;
	s13 =	smul.u32 $0x4F000, s4;
	s31 =	sshll.u32 s4, $0x8  }
0xc: {  	s9 =	sshll.u32 s9, $0x7;
	p0 =	slt.u32 s4, $0x2;
	s12 =	sshrl.u32 s29, $0x1  }
0xd: {  	s7 =	sadd.s32 s10, s7;
	s12 =	ssub.s32 s29, s12;
	s30 =	sshrl.u32 s13, $0x2  }
0xe: {  	s13 =	sor.u32 s9, s31;
	s11 =	sshrl.u32 s7, $0x3;
	s7 =	sadd.s32 $0xC000, s8  }
0xf: {  	s9 =	sadd.s32 s30, s2;
	s11 =	sadd.s32 s11, s8;
	s8 =	simm.s32 $0x4F  }
0x10: {  	s13 =	sshrl.u32 s13, $0x3;
	s8 =	simm.s32 @!p0 $0x4E;
	s10 =	sadd.s32 $0x33A00, s11  }
0x11: {  	v0 =	vimm.f32 $0.0e+00;
	s11 =	smax.u32 s12, $0x1;
	s12 =	sadd.s32 s13, s1;
	s13 =	simm.s32 $0x4900  }
.LBB2_1:
0x12: {  	[tilespmem:s13], [sflag:$0x2] =	stream.linear.gather [hbm4b:s7+s5], $0x400, $0x38;
	[tilespmem:$0x189C0] =	vst v63  }
0x13: {  	_ =	swait.ge [sflag:s14], $0x400  }
0x14: {  	[sflag:s14] =	ssyncset.done $0x0  }
0x15: {  	[sflag:s14] =	ssyncadd.s32 $0xFFFFFC00  }
0x16: {  	[tilespmem:s15], [sflag:$0x2] =	stream.linear.gather [hbm4b:s1+s5], $0x10, $0x38;
	[tilespmem:$0x189C0] =	vst v63  }
0x17: {  	_ =	swait.ge [sflag:s14], $0x10  }
0x18: {  	[sflag:s14] =	ssyncset.done $0x0  }
0x19: {  	s22 =	simm.s32 $0x0;
	s23 =	simm.s32 $0x0;
	[sflag:s14] =	ssyncadd.s32 $0xFFFFFFF0  }
.LBB2_2:
0x1a: {  	p0 =	sne.s32 s23, $0x1FC0  }
.Ltmp0:
0x1b: {  	_ = 	snop;
	(pc) =	sbr.rel @p0 .LBB2_2-.Ltmp0, $4  }
0x1c: {  	s24 =	sand.u32 $0x1E00, s23  }
0x1d: {  	s25 =	sand.u32 $0x70, s22;
	s24 =	sshrl.u32 s24, $0x2  }
0x1e: {  	s24 =	sor.u32 s25, s24  }
0x1f: {  	s22 =	sadd.s32 $0x10, s22;
	s23 =	sadd.s32 $0x40, s23;
	[tilespmem:s24+$0x4100] =	vst v0  }
0x20: {  	s22 =	sadd.s32 $0x0, s9  }
0x21: {  	[spmem:s22] =	stream.linear.scatter [tilespmem:s16], [sflag:$0x2], $0x800, $0x38;
	[tilespmem:$0x189C0] =	vst v63  }
0x22: {  	s22 =	simm.s32 $0x2000;
	_ =	swait.ge [sflag:s14], $0x800  }
.LBB2_4:
0x23: {  	s23 =	sshra.s32 s22, $0x2;
	[sflag:s14] =	ssyncset.done $0x0;
	p0 =	sne.s32 s22, $0x4C000  }
.Ltmp1:
0x24: {  	s23 =	sadd.s32 s23, s9;
	[sflag:s14] =	ssyncadd.s32 $0xFFFFF800;
	(pc) =	sbr.rel @p0 .LBB2_4-.Ltmp1, $3  }
0x25: {  	[spmem:s23] =	stream.linear.scatter [tilespmem:s16], [sflag:$0x2], $0x800, $0x38;
	[tilespmem:$0x189C0] =	vst v63  }
0x26: {  	s22 =	sadd.s32 $0x2000, s22;
	_ =	sdelay $0x1  }
0x27: {  	_ =	swait.ge [sflag:s14], $0x800  }
0x28: {  	[sflag:s14] =	ssyncset.done $0x0  }
0x29: {  	[sflag:s14] =	ssyncadd.s32 $0xFFFFF800  }
0x2a: {  	[spmem:s3] =	stream.linear.scatter [tilespmem:s16], [sflag:$0x2], $0x800, $0x38;
	[tilespmem:$0x189C0] =	vst v63  }
0x2b: {  	_ =	swait.ge [sflag:s14], $0x800  }
0x2c: {  	[sflag:s14] =	ssyncset.done $0x0  }
0x2d: {  	[sflag:s14] =	ssyncadd.s32 $0xFFFFF800  }
0x2e: {  	[bflag:$0x0] =	sbarrier.arrive $0xFFFF  }
0x2f: {  	[tilespmem:s5], [sflag:$0x2] =	stream.linear.gather [hbm4b:s12+s5], $0x80, $0x38;
	[tilespmem:$0x189C0] =	vst v63  }
0x30: {  	_ =	swait.ge [sflag:s14], $0x80  }
0x31: {  	[sflag:s14] =	ssyncset.done $0x0  }
0x32: {  	[sflag:s14] =	ssyncadd.s32 $0xFFFFFF80  }
0x33: {  	[tilespmem:s17], [sflag:$0x2] =	stream.linear.gather [hbm4b:s12+s5], $0x80, $0x38;
	[tilespmem:$0x189C0] =	vst v63  }
0x34: {  	_ =	swait.ge [sflag:s14], $0x80  }
0x35: {  	[sflag:s14] =	ssyncset.done $0x0  }
0x36: {  	[sflag:s14] =	ssyncadd.s32 $0xFFFFFF80  }
0x37: {  	[tilespmem:s18], [sflag:$0x1] =	stream.indirect.gather [hbm4b:s6+s17], $0x80, s5, s17, $0xb8;
	[tilespmem:$0x189C0] =	vst v63  }
0x38: {  	p0 =	sne.s32 s8, $0x1;
	_ =	swait.ge [sflag:s19], $0x4000  }
.Ltmp2:
0x39: {  	[sflag:s19] =	ssyncset.done $0x0;
	(pc) =	sbr.rel @!p0 .LBB2_7-.Ltmp2, $4  }
0x3a: {  	[sflag:s19] =	ssyncadd.s32 $0xFFFFC000  }
0x3b: {  	[spmem:s2] =	stream.indirect.scatter.add.f32 [tilespmem:s18], [sflag:$0x2], $0x80, s17, s17, $0xb8;
	[tilespmem:$0x189C0] =	vst v63  }
0x3c: {  	_ =	swait.ge [sflag:s14], $0x4000  }
0x3d: {  	s22 =	sadd.s32 $0xFFFFFFFF, s8;
	s23 =	smov.u32 s12;
	[sflag:s14] =	ssyncset.done $0x0  }
.LBB2_6:
0x3e: {  	p0 =	sne.s32 s22, $0x1;
	[sflag:s14] =	ssyncadd.s32 $0xFFFFC000;
	s23 =	sadd.s32 $0x200, s23  }
0x3f: {  	[tilespmem:s5], [sflag:$0x2] =	stream.linear.gather [hbm4b:s23+s5], $0x80, $0x38;
	[tilespmem:$0x189C0] =	vst v63  }
0x40: {  	s22 =	sadd.s32 $0xFFFFFFFF, s22;
	_ =	swait.ge [sflag:s14], $0x80  }
0x41: {  	[sflag:s14] =	ssyncset.done $0x0  }
0x42: {  	[sflag:s14] =	ssyncadd.s32 $0xFFFFFF80  }
0x43: {  	[tilespmem:s17], [sflag:$0x2] =	stream.linear.gather [hbm4b:s23+s5], $0x80, $0x38;
	[tilespmem:$0x189C0] =	vst v63  }
0x44: {  	_ =	swait.ge [sflag:s14], $0x80  }
0x45: {  	[sflag:s14] =	ssyncset.done $0x0  }
0x46: {  	[sflag:s14] =	ssyncadd.s32 $0xFFFFFF80  }
0x47: {  	[tilespmem:s18], [sflag:$0x1] =	stream.indirect.gather [hbm4b:s6+s17], $0x80, s5, s17, $0xb8;
	[tilespmem:$0x189C0] =	vst v63  }
0x48: {  	_ =	swait.ge [sflag:s19], $0x4000  }
.Ltmp3:
0x49: {  	[sflag:s19] =	ssyncset.done $0x0;
	(pc) =	sbr.rel @p0 .LBB2_6-.Ltmp3, $4  }
0x4a: {  	[sflag:s19] =	ssyncadd.s32 $0xFFFFC000  }
0x4b: {  	[spmem:s2] =	stream.indirect.scatter.add.f32 [tilespmem:s18], [sflag:$0x2], $0x80, s17, s17, $0xb8;
	[tilespmem:$0x189C0] =	vst v63  }
0x4c: {  	_ =	swait.ge [sflag:s14], $0x4000  }
0x4d: {  	[sflag:s14] =	ssyncset.done $0x0  }
.LBB2_7:
0x4e: {  	[sflag:s14] =	ssyncadd.s32 $0xFFFFC000  }
0x4f: {  	[bflag:$0x0] =	sbarrier.arrive $0xFFFF  }
0x50: {  	[spmem:s2] =	stream.indirect.scatter.add.f32 [tilespmem:s16], [sflag:$0x2], $0x80, s15, s20, $0xb8;
	[tilespmem:$0x189C0] =	vst v63  }
0x51: {  	_ =	swait.ge [sflag:s14], $0x800  }
0x52: {  	s22 =	sshll.u32 s4, $0x6;
	s21 =	sadd.s32 $0x1, s21;
	[sflag:s14] =	ssyncset.done $0x0  }
0x53: {  	s23 =	sshrl.u32 s9, $0x3;
	p0 =	sne.s32 s21, s11;
	[sflag:s14] =	ssyncadd.s32 $0xFFFFF800  }
.Ltmp4:
0x54: {  	s22 =	sor.u32 $0x1C02, s22;
	[bflag:$0x0] =	sbarrier.arrive $0xFFFF;
	(pc) =	sbr.rel @p0 .LBB2_1-.Ltmp4, $4  }
0x55: {  	[hbm:s10], [sflag:s22] =	dma.local [spmem:s23], $0x2780  }
0x56: {  	_ =	swait.ge [sflag:s14], $0x2780  }
0x57: {  	[sflag:s14] =	ssyncset.done $0x0  }
0x58: {  	[sflag:s14] =	ssyncadd.s32 $0xFFFFD880  }
0x59: {  	_ =	sfence.sel $0x180000  }
0x5a: {  	[bflag:$0x0] =	sbarrier.arrive $0xFFFF  }
0x5b: {  	p0 =	sne.s32 s4, $0x0;
	_ =	strace $0x90000047  }
0x5c: {  	s0 =	sadd.s32 @!p0 $0x100000, s0;
	[bflag:$0x2] =	sbarrier.arrive $0xFFFF  }
0x5d: {  	[sflag:s0] =	ssyncadd.tile.s32 @!p0 $0x1;
	_ =	shalt  }
.Lfunc_end2:
_tile_overlayer_lowered:
.L_overlay_start_2:
0x5e: {  	(tag) =	ssettag $0x2  }
0x5f: {  	s0 =	rddreg [dreg:$0x0];
	s2 =	stileid.u32  }
0x60: {  	s1 =	rddreg [dreg:$0x1];
	p0 =	sne.s32 s2, $0x0  }
0x61: {  	s3 =	rddreg [dreg:$0x2];
	[bflag:$0x3] =	sbarrier.arrive $0xFFFF;
	s2 =	simm.s32 @!p0 $0x1C02  }
0x62: {  	[timem:s3], [sflag:s2] =	dma.local @!p0 [hbm:s0], s1  }
0x63: {  	s0 =	simm.s32 @!p0 $0x2  }
0x64: {  	_ =	swait.ge @!p0 [sflag:s0], s1  }
0x65: {  	s1 =	ssub.s32 @!p0 $0x0, s1;
	[sflag:s0] =	ssyncset.done @!p0 $0x0  }
0x66: {  	[sflag:s0] =	ssyncadd.s32 @!p0 s1  }
0x67: {  	[bflag:$0x3] =	sbarrier.arrive $0xFFFF  }
0x68: {  	_ =	shalt  }

</sc_bundles>
